<compile_context>
chip_gen: v7x
topology: tpu7x:2x2x1
jax: 0.10.2.dev20260603
libtpu: 0.0.44.dev20260713+nightly
codegen_flags: <defaults>
</compile_context>

<pallas_src>
import functools

import jax
import jax.numpy as jnp
from jax import lax
from jax.experimental import pallas as pl
from jax.experimental.pallas import tpu as pltpu
from jax.experimental.pallas import tpu_sc as plsc

_V = 1000000
_E = 64
_H = 128
_B = 1024
_T = 200

_NW = 32
_CHUNK = 128
_FIRE = 10
_WAVES = 5


def _sc_gather_body(table_hbm, idx_hbm, out_hbm, idx_v, rows_v, sem):
    wid = lax.axis_index("s") * 2 + lax.axis_index("c")

    def wave(wv, carry):
        blk = wid * _WAVES + wv
        pltpu.sync_copy(idx_hbm.at[blk], idx_v)
        copies = [
            pltpu.async_copy(
                table_hbm.at[idx_v.at[j, 0]],
                rows_v.at[pl.ds(j * _CHUNK, _CHUNK)],
                sem,
            )
            for j in range(_FIRE)
        ]
        for cp in copies:
            cp.wait()
        nrow = _FIRE * _CHUNK
        pltpu.sync_copy(rows_v, out_hbm.at[pl.ds(blk * nrow, nrow)])
        return carry

    lax.fori_loop(0, _WAVES, wave, 0)


@functools.lru_cache(maxsize=1)
def _sc_gather_fn():
    return pl.kernel(
        _sc_gather_body,
        mesh=plsc.VectorSubcoreMesh(core_axis_name="c", subcore_axis_name="s"),
        out_type=jax.ShapeDtypeStruct((_T * _B, _E), jnp.float32),
        scratch_types=[
            pltpu.VMEM((_FIRE, 1, _CHUNK), jnp.int32),
            pltpu.VMEM((_FIRE * _CHUNK, _E), jnp.float32),
            pltpu.SemaphoreType.DMA,
        ],
        compiler_params=pltpu.CompilerParams(use_tc_tiling_on_sc=False),
    )


_TS = 8
_NB = _T // _TS


def _gru_step(x_ref, wih_ref, whh_ref, bi_ref, bh_ref,
              out_ref, hid_ref, h_ref):
    k = pl.program_id(0)

    @pl.when(k == 0)
    def _init():
        h_ref[...] = jnp.zeros_like(h_ref)

    dn = (((1,), (0,)), ((), ()))
    h = h_ref[...]
    for i in range(_TS):
        g = lax.dot_general(x_ref[i * _B:(i + 1) * _B], wih_ref[...], dn,
                            preferred_element_type=jnp.float32) + bi_ref[...]
        gh = lax.dot_general(h, whh_ref[...], dn,
                             preferred_element_type=jnp.float32) + bh_ref[...]
        r = 0.5 + 0.5 * jnp.tanh(0.5 * (g[:, :_H] + gh[:, :_H]))
        z = 0.5 + 0.5 * jnp.tanh(0.5 * (g[:, _H:2 * _H] + gh[:, _H:2 * _H]))
        n = jnp.tanh(g[:, 2 * _H:] + r * gh[:, 2 * _H:])
        h = n + z * (h - n)
        out_ref[:, i, :] = h
    h_ref[...] = h

    @pl.when(k == _NB - 1)
    def _final():
        hid_ref[0] = h


def _gru_scan(emb_2d, wih_t, whh_t, bi2, bh2, interpret=False):
    return pl.pallas_call(
        _gru_step,
        grid=(_NB,),
        in_specs=[
            pl.BlockSpec((_TS * _B, _E), lambda k: (k, 0)),
            pl.BlockSpec((_E, 3 * _H), lambda k: (0, 0)),
            pl.BlockSpec((_H, 3 * _H), lambda k: (0, 0)),
            pl.BlockSpec((1, 3 * _H), lambda k: (0, 0)),
            pl.BlockSpec((1, 3 * _H), lambda k: (0, 0)),
        ],
        out_specs=[
            pl.BlockSpec((_B, _TS, _H), lambda k: (0, k, 0)),
            pl.BlockSpec((1, _B, _H), lambda k: (0, 0, 0)),
        ],
        out_shape=[
            jax.ShapeDtypeStruct((_B, _T, _H), jnp.float32),
            jax.ShapeDtypeStruct((1, _B, _H), jnp.float32),
        ],
        scratch_shapes=[pltpu.VMEM((_B, _H), jnp.float32)],
        interpret=interpret,
    )(emb_2d, wih_t, whh_t, bi2, bh2)


def kernel(src, table, W_ih, W_hh, b_ih, b_hh):
    idx = (jnp.swapaxes(src, 0, 1)
           .reshape(_NW * _WAVES, _FIRE, 1, _CHUNK))
    emb2 = _sc_gather_fn()(table, idx)

    outputs, hidden = _gru_scan(
        emb2,
        W_ih.T,
        W_hh.T,
        b_ih.reshape(1, 3 * _H),
        b_hh.reshape(1, 3 * _H),
    )
    return (outputs, hidden)

# --- scband reference (transcript-rebuilt; emitter-appended) ---
"""Pipeline reference for scband-encoder-87479893885444 (READ-ONLY COPY).

The authoritative reference and input builder live on the scoring server;
editing this copy changes nothing except your own understanding.
"""

import jax, jax.numpy as jnp
import numpy as np

V = 1000000
E = 64
H = 128
B = 1024
T = 200


def setup_inputs(seed: int = 0) -> dict:
    key = jax.random.key(seed)
    k1, k2, k3, k4, k5, k6 = jax.random.split(key, 6)
    src = jax.random.randint(k1, (B, T), 0, V, dtype=jnp.int64 if jax.config.jax_enable_x64 else jnp.int32).astype(jnp.int32)
    table = jax.random.normal(k2, (V, E), dtype=jnp.float32)
    table = table.at[0].set(0.0)  # padding_idx=0
    s = 1.0 / np.sqrt(H)
    W_ih = jax.random.uniform(k3, (3 * H, E), minval=-s, maxval=s, dtype=jnp.float32)
    W_hh = jax.random.uniform(k4, (3 * H, H), minval=-s, maxval=s, dtype=jnp.float32)
    b_ih = jax.random.uniform(k5, (3 * H,), minval=-s, maxval=s, dtype=jnp.float32)
    b_hh = jax.random.uniform(k6, (3 * H,), minval=-s, maxval=s, dtype=jnp.float32)
    return {"src": src, "table": table, "W_ih": W_ih, "W_hh": W_hh, "b_ih": b_ih, "b_hh": b_hh}


def reference(src, table, W_ih, W_hh, b_ih, b_hh):
    # Embedding lookup (padding_idx=0 row is zero in the table)
    embedded = jnp.take(table, src, axis=0)  # [B, T, E]
    # Dropout in eval mode -> identity (deterministic reference)

    def step(h, x_t):
        gi = x_t @ W_ih.T + b_ih  # [B, 3H]
        gh = h @ W_hh.T + b_hh    # [B, 3H]
        i_r, i_z, i_n = jnp.split(gi, 3, axis=-1)
        h_r, h_z, h_n = jnp.split(gh, 3, axis=-1)
        r = jax.nn.sigmoid(i_r + h_r)
        z = jax.nn.sigmoid(i_z + h_z)
        n = jnp.tanh(i_n + r * h_n)
        h_new = (1.0 - z) * n + z * h
        return h_new, h_new

    h0 = jnp.zeros((B, H), dtype=jnp.float32)
    hT, outs = jax.lax.scan(step, h0, jnp.swapaxes(embedded, 0, 1))  # outs: [T, B, H]
    outputs = jnp.swapaxes(outs, 0, 1)  # [B, T, H]
    hidden = hT[None, :, :]  # [1, B, H] (num_layers*num_directions=1)
    return (outputs, hidden)

if __name__ == "__main__":
    import jax
    _d = setup_inputs()
    print(jax.jit(kernel)(*tuple(_d.values())))

</pallas_src>

<mosaic_0001>
#map = affine_map<(d0, d1) -> (0, 0)>
#map1 = affine_map<(d0, d1) -> (0, 0, 0, 0)>
module attributes {stable_mosaic.version = 14 : i64} {
  func.func @_sc_gather_body(%arg0: i32, %arg1: i32, %arg2: memref<1000000x64xf32, #tpu.memory_space<hbm>>, %arg3: memref<160x10x1x128xi32, #tpu.memory_space<hbm>>, %arg4: memref<204800x64xf32, #tpu.memory_space<hbm>>, %arg5: memref<10x1x128xi32, #tpu.memory_space<vmem>>, %arg6: memref<1280x64xf32, #tpu.memory_space<vmem>>, %arg7: memref<!tpu.dma_semaphore, #tpu.memory_space<semaphore_mem>>) attributes {dimension_semantics = [#tpu.dimension_semantics<core_parallel>, #tpu.dimension_semantics<subcore_parallel>], iteration_bounds = array<i64: 2, 16>, scalar_prefetch = 0 : i64, scratch_operands = 3 : i64, tpu.core_type = #tpu.core_type<sc_vector_subcore>, window_params = [{transform_indices = #map}, {transform_indices = #map1}, {transform_indices = #map}]} {
    %mul3A = arith.constant 2 : i32
    %mul3A_0 = arith.muli %arg1, %mul3A : i32
    %add3A = arith.addi %mul3A_0, %arg0 : i32
    %scan3A = arith.constant 0 : i32
    %scan3A_1 = arith.constant 0 : i32
    %scan3A_2 = arith.constant 5 : i32
    %scan3A_3 = arith.addi %scan3A_1, %scan3A_2 : i32
    %scan3A_4 = arith.constant 1 : i32
    scf.for %scan3A_6 = %scan3A_1 to %scan3A_3 step %scan3A_4  : i32 {
      %mul3A_7 = arith.constant 5 : i32
      %mul3A_8 = arith.muli %add3A, %mul3A_7 : i32
      %add3A_9 = arith.addi %mul3A_8, %scan3A_6 : i32
      "tpu.region"() ({
        %run_scoped3A = tpu.sem_alloc : memref<!tpu.dma_semaphore, #tpu.memory_space<semaphore_mem>>
        %dma_start3A_230 = arith.constant 0 : i32
        %dma_start3A_231 = arith.constant 0 : i32
        %dma_start3A_232 = arith.constant 0 : i32
        %dma_start3A_233 = tpu.memref_slice %arg3[%add3A_9, %dma_start3A_230, %dma_start3A_231, %dma_start3A_232] : memref<160x10x1x128xi32, #tpu.memory_space<hbm>> -> memref<1x10x1x128xi32, #tpu.memory_space<hbm>>
        %dma_start3A_234 = tpu.memref_squeeze %dma_start3A_233 : memref<1x10x1x128xi32, #tpu.memory_space<hbm>> -> memref<10x1x128xi32, #tpu.memory_space<hbm>>
        %dma_start3A_235 = arith.constant 0 : i32
        %dma_start3A_236 = arith.constant 0 : i32
        %dma_start3A_237 = arith.constant 0 : i32
        %dma_start3A_238 = tpu.memref_slice %arg3[%add3A_9, %dma_start3A_235, %dma_start3A_236, %dma_start3A_237] : memref<160x10x1x128xi32, #tpu.memory_space<hbm>> -> memref<1x10x1x128xi32, #tpu.memory_space<hbm>>
        %dma_start3A_239 = tpu.memref_squeeze %dma_start3A_238 : memref<1x10x1x128xi32, #tpu.memory_space<hbm>> -> memref<10x1x128xi32, #tpu.memory_space<hbm>>
        tpu.enqueue_dma source(%dma_start3A_239 : memref<10x1x128xi32, #tpu.memory_space<hbm>>) target(%arg5 : memref<10x1x128xi32, #tpu.memory_space<vmem>>) target_semaphore(%run_scoped3A : memref<!tpu.dma_semaphore, #tpu.memory_space<semaphore_mem>>)
        %dma_wait3A_240 = arith.constant 0 : i32
        %dma_wait3A_241 = arith.constant 0 : i32
        %dma_wait3A_242 = arith.constant 0 : i32
        %dma_wait3A_243 = tpu.memref_slice %arg3[%add3A_9, %dma_wait3A_240, %dma_wait3A_241, %dma_wait3A_242] : memref<160x10x1x128xi32, #tpu.memory_space<hbm>> -> memref<1x10x1x128xi32, #tpu.memory_space<hbm>>
        %dma_wait3A_244 = tpu.memref_squeeze %dma_wait3A_243 : memref<1x10x1x128xi32, #tpu.memory_space<hbm>> -> memref<10x1x128xi32, #tpu.memory_space<hbm>>
        %dma_wait3A_245 = arith.constant 0 : i32
        %dma_wait3A_246 = arith.constant 0 : i32
        %dma_wait3A_247 = arith.constant 0 : i32
        %dma_wait3A_248 = tpu.memref_slice %arg3[%add3A_9, %dma_wait3A_245, %dma_wait3A_246, %dma_wait3A_247] : memref<160x10x1x128xi32, #tpu.memory_space<hbm>> -> memref<1x10x1x128xi32, #tpu.memory_space<hbm>>
        %dma_wait3A_249 = tpu.memref_squeeze %dma_wait3A_248 : memref<1x10x1x128xi32, #tpu.memory_space<hbm>> -> memref<10x1x128xi32, #tpu.memory_space<hbm>>
        tpu.wait_dma2 semaphore(%run_scoped3A : memref<!tpu.dma_semaphore, #tpu.memory_space<semaphore_mem>>) src(%dma_wait3A_249 : memref<10x1x128xi32, #tpu.memory_space<hbm>>) dst(%arg5 : memref<10x1x128xi32, #tpu.memory_space<vmem>>)
        tpu.yield
      }) : () -> ()
      %dma_start3A = arith.constant 0 : i32
      %dma_start3A_10 = arith.constant 0 : i32
      %dma_start3A_11 = arith.constant 0 : i32
      %dma_start3A_12 = arith.constant 0 : i32
      %dma_start3A_13 = tpu.memref_slice %arg6[%dma_start3A_11, %dma_start3A_12] : memref<1280x64xf32, #tpu.memory_space<vmem>> -> memref<128x64xf32, #tpu.memory_space<vmem>>
      %dma_start3A_14 = arith.constant 0 : i32
      %dma_start3A_15 = tpu.memref_slice %arg5[%dma_start3A, %dma_start3A_10, %dma_start3A_14] : memref<10x1x128xi32, #tpu.memory_space<vmem>> -> memref<1x1x128xi32, #tpu.memory_space<vmem>>
      %dma_start3A_16 = tpu.memref_squeeze %dma_start3A_15 : memref<1x1x128xi32, #tpu.memory_space<vmem>> -> memref<128xi32, #tpu.memory_space<vmem>>
      %dma_start3A_17 = arith.constant 0 : i32
      %dma_start3A_18 = arith.constant 0 : i32
      %dma_start3A_19 = tpu.memref_slice %arg2[%dma_start3A_17, %dma_start3A_18] : memref<1000000x64xf32, #tpu.memory_space<hbm>> -> memref<1000000x64xf32, #tpu.memory_space<hbm>>
      tpu.enqueue_indirect_dma source(%dma_start3A_19 : memref<1000000x64xf32, #tpu.memory_space<hbm>>) target(%dma_start3A_13 : memref<128x64xf32, #tpu.memory_space<vmem>>) offsets(%dma_start3A_16 : memref<128xi32, #tpu.memory_space<vmem>>) semaphore(%arg7 : memref<!tpu.dma_semaphore, #tpu.memory_space<semaphore_mem>>)
      %dma_start3A_20 = arith.constant 1 : i32
      %dma_start3A_21 = arith.constant 0 : i32
      %dma_start3A_22 = arith.constant 128 : i32
      %dma_start3A_23 = arith.constant 0 : i32
      %dma_start3A_24 = tpu.memref_slice %arg6[%dma_start3A_22, %dma_start3A_23] : memref<1280x64xf32, #tpu.memory_space<vmem>> -> memref<128x64xf32, #tpu.memory_space<vmem>>
      %dma_start3A_25 = arith.constant 0 : i32
      %dma_start3A_26 = tpu.memref_slice %arg5[%dma_start3A_20, %dma_start3A_21, %dma_start3A_25] : memref<10x1x128xi32, #tpu.memory_space<vmem>> -> memref<1x1x128xi32, #tpu.memory_space<vmem>>
      %dma_start3A_27 = tpu.memref_squeeze %dma_start3A_26 : memref<1x1x128xi32, #tpu.memory_space<vmem>> -> memref<128xi32, #tpu.memory_space<vmem>>
      %dma_start3A_28 = arith.constant 0 : i32
      %dma_start3A_29 = arith.constant 0 : i32
      %dma_start3A_30 = tpu.memref_slice %arg2[%dma_start3A_28, %dma_start3A_29] : memref<1000000x64xf32, #tpu.memory_space<hbm>> -> memref<1000000x64xf32, #tpu.memory_space<hbm>>
      tpu.enqueue_indirect_dma source(%dma_start3A_30 : memref<1000000x64xf32, #tpu.memory_space<hbm>>) target(%dma_start3A_24 : memref<128x64xf32, #tpu.memory_space<vmem>>) offsets(%dma_start3A_27 : memref<128xi32, #tpu.memory_space<vmem>>) semaphore(%arg7 : memref<!tpu.dma_semaphore, #tpu.memory_space<semaphore_mem>>)
      %dma_start3A_31 = arith.constant 2 : i32
      %dma_start3A_32 = arith.constant 0 : i32
      %dma_start3A_33 = arith.constant 256 : i32
      %dma_start3A_34 = arith.constant 0 : i32
      %dma_start3A_35 = tpu.memref_slice %arg6[%dma_start3A_33, %dma_start3A_34] : memref<1280x64xf32, #tpu.memory_space<vmem>> -> memref<128x64xf32, #tpu.memory_space<vmem>>
      %dma_start3A_36 = arith.constant 0 : i32
      %dma_start3A_37 = tpu.memref_slice %arg5[%dma_start3A_31, %dma_start3A_32, %dma_start3A_36] : memref<10x1x128xi32, #tpu.memory_space<vmem>> -> memref<1x1x128xi32, #tpu.memory_space<vmem>>
      %dma_start3A_38 = tpu.memref_squeeze %dma_start3A_37 : memref<1x1x128xi32, #tpu.memory_space<vmem>> -> memref<128xi32, #tpu.memory_space<vmem>>
      %dma_start3A_39 = arith.constant 0 : i32
      %dma_start3A_40 = arith.constant 0 : i32
      %dma_start3A_41 = tpu.memref_slice %arg2[%dma_start3A_39, %dma_start3A_40] : memref<1000000x64xf32, #tpu.memory_space<hbm>> -> memref<1000000x64xf32, #tpu.memory_space<hbm>>
      tpu.enqueue_indirect_dma source(%dma_start3A_41 : memref<1000000x64xf32, #tpu.memory_space<hbm>>) target(%dma_start3A_35 : memref<128x64xf32, #tpu.memory_space<vmem>>) offsets(%dma_start3A_38 : memref<128xi32, #tpu.memory_space<vmem>>) semaphore(%arg7 : memref<!tpu.dma_semaphore, #tpu.memory_space<semaphore_mem>>)
      %dma_start3A_42 = arith.constant 3 : i32
      %dma_start3A_43 = arith.constant 0 : i32
      %dma_start3A_44 = arith.constant 384 : i32
      %dma_start3A_45 = arith.constant 0 : i32
      %dma_start3A_46 = tpu.memref_slice %arg6[%dma_start3A_44, %dma_start3A_45] : memref<1280x64xf32, #tpu.memory_space<vmem>> -> memref<128x64xf32, #tpu.memory_space<vmem>>
      %dma_start3A_47 = arith.constant 0 : i32
      %dma_start3A_48 = tpu.memref_slice %arg5[%dma_start3A_42, %dma_start3A_43, %dma_start3A_47] : memref<10x1x128xi32, #tpu.memory_space<vmem>> -> memref<1x1x128xi32, #tpu.memory_space<vmem>>
      %dma_start3A_49 = tpu.memref_squeeze %dma_start3A_48 : memref<1x1x128xi32, #tpu.memory_space<vmem>> -> memref<128xi32, #tpu.memory_space<vmem>>
      %dma_start3A_50 = arith.constant 0 : i32
      %dma_start3A_51 = arith.constant 0 : i32
      %dma_start3A_52 = tpu.memref_slice %arg2[%dma_start3A_50, %dma_start3A_51] : memref<1000000x64xf32, #tpu.memory_space<hbm>> -> memref<1000000x64xf32, #tpu.memory_space<hbm>>
      tpu.enqueue_indirect_dma source(%dma_start3A_52 : memref<1000000x64xf32, #tpu.memory_space<hbm>>) target(%dma_start3A_46 : memref<128x64xf32, #tpu.memory_space<vmem>>) offsets(%dma_start3A_49 : memref<128xi32, #tpu.memory_space<vmem>>) semaphore(%arg7 : memref<!tpu.dma_semaphore, #tpu.memory_space<semaphore_mem>>)
      %dma_start3A_53 = arith.constant 4 : i32
      %dma_start3A_54 = arith.constant 0 : i32
      %dma_start3A_55 = arith.constant 512 : i32
      %dma_start3A_56 = arith.constant 0 : i32
      %dma_start3A_57 = tpu.memref_slice %arg6[%dma_start3A_55, %dma_start3A_56] : memref<1280x64xf32, #tpu.memory_space<vmem>> -> memref<128x64xf32, #tpu.memory_space<vmem>>
      %dma_start3A_58 = arith.constant 0 : i32
      %dma_start3A_59 = tpu.memref_slice %arg5[%dma_start3A_53, %dma_start3A_54, %dma_start3A_58] : memref<10x1x128xi32, #tpu.memory_space<vmem>> -> memref<1x1x128xi32, #tpu.memory_space<vmem>>
      %dma_start3A_60 = tpu.memref_squeeze %dma_start3A_59 : memref<1x1x128xi32, #tpu.memory_space<vmem>> -> memref<128xi32, #tpu.memory_space<vmem>>
      %dma_start3A_61 = arith.constant 0 : i32
      %dma_start3A_62 = arith.constant 0 : i32
      %dma_start3A_63 = tpu.memref_slice %arg2[%dma_start3A_61, %dma_start3A_62] : memref<1000000x64xf32, #tpu.memory_space<hbm>> -> memref<1000000x64xf32, #tpu.memory_space<hbm>>
      tpu.enqueue_indirect_dma source(%dma_start3A_63 : memref<1000000x64xf32, #tpu.memory_space<hbm>>) target(%dma_start3A_57 : memref<128x64xf32, #tpu.memory_space<vmem>>) offsets(%dma_start3A_60 : memref<128xi32, #tpu.memory_space<vmem>>) semaphore(%arg7 : memref<!tpu.dma_semaphore, #tpu.memory_space<semaphore_mem>>)
      %dma_start3A_64 = arith.constant 5 : i32
      %dma_start3A_65 = arith.constant 0 : i32
      %dma_start3A_66 = arith.constant 640 : i32
      %dma_start3A_67 = arith.constant 0 : i32
      %dma_start3A_68 = tpu.memref_slice %arg6[%dma_start3A_66, %dma_start3A_67] : memref<1280x64xf32, #tpu.memory_space<vmem>> -> memref<128x64xf32, #tpu.memory_space<vmem>>
      %dma_start3A_69 = arith.constant 0 : i32
      %dma_start3A_70 = tpu.memref_slice %arg5[%dma_start3A_64, %dma_start3A_65, %dma_start3A_69] : memref<10x1x128xi32, #tpu.memory_space<vmem>> -> memref<1x1x128xi32, #tpu.memory_space<vmem>>
      %dma_start3A_71 = tpu.memref_squeeze %dma_start3A_70 : memref<1x1x128xi32, #tpu.memory_space<vmem>> -> memref<128xi32, #tpu.memory_space<vmem>>
      %dma_start3A_72 = arith.constant 0 : i32
      %dma_start3A_73 = arith.constant 0 : i32
      %dma_start3A_74 = tpu.memref_slice %arg2[%dma_start3A_72, %dma_start3A_73] : memref<1000000x64xf32, #tpu.memory_space<hbm>> -> memref<1000000x64xf32, #tpu.memory_space<hbm>>
      tpu.enqueue_indirect_dma source(%dma_start3A_74 : memref<1000000x64xf32, #tpu.memory_space<hbm>>) target(%dma_start3A_68 : memref<128x64xf32, #tpu.memory_space<vmem>>) offsets(%dma_start3A_71 : memref<128xi32, #tpu.memory_space<vmem>>) semaphore(%arg7 : memref<!tpu.dma_semaphore, #tpu.memory_space<semaphore_mem>>)
      %dma_start3A_75 = arith.constant 6 : i32
      %dma_start3A_76 = arith.constant 0 : i32
      %dma_start3A_77 = arith.constant 768 : i32
      %dma_start3A_78 = arith.constant 0 : i32
      %dma_start3A_79 = tpu.memref_slice %arg6[%dma_start3A_77, %dma_start3A_78] : memref<1280x64xf32, #tpu.memory_space<vmem>> -> memref<128x64xf32, #tpu.memory_space<vmem>>
      %dma_start3A_80 = arith.constant 0 : i32
      %dma_start3A_81 = tpu.memref_slice %arg5[%dma_start3A_75, %dma_start3A_76, %dma_start3A_80] : memref<10x1x128xi32, #tpu.memory_space<vmem>> -> memref<1x1x128xi32, #tpu.memory_space<vmem>>
      %dma_start3A_82 = tpu.memref_squeeze %dma_start3A_81 : memref<1x1x128xi32, #tpu.memory_space<vmem>> -> memref<128xi32, #tpu.memory_space<vmem>>
      %dma_start3A_83 = arith.constant 0 : i32
      %dma_start3A_84 = arith.constant 0 : i32
      %dma_start3A_85 = tpu.memref_slice %arg2[%dma_start3A_83, %dma_start3A_84] : memref<1000000x64xf32, #tpu.memory_space<hbm>> -> memref<1000000x64xf32, #tpu.memory_space<hbm>>
      tpu.enqueue_indirect_dma source(%dma_start3A_85 : memref<1000000x64xf32, #tpu.memory_space<hbm>>) target(%dma_start3A_79 : memref<128x64xf32, #tpu.memory_space<vmem>>) offsets(%dma_start3A_82 : memref<128xi32, #tpu.memory_space<vmem>>) semaphore(%arg7 : memref<!tpu.dma_semaphore, #tpu.memory_space<semaphore_mem>>)
      %dma_start3A_86 = arith.constant 7 : i32
      %dma_start3A_87 = arith.constant 0 : i32
      %dma_start3A_88 = arith.constant 896 : i32
      %dma_start3A_89 = arith.constant 0 : i32
      %dma_start3A_90 = tpu.memref_slice %arg6[%dma_start3A_88, %dma_start3A_89] : memref<1280x64xf32, #tpu.memory_space<vmem>> -> memref<128x64xf32, #tpu.memory_space<vmem>>
      %dma_start3A_91 = arith.constant 0 : i32
      %dma_start3A_92 = tpu.memref_slice %arg5[%dma_start3A_86, %dma_start3A_87, %dma_start3A_91] : memref<10x1x128xi32, #tpu.memory_space<vmem>> -> memref<1x1x128xi32, #tpu.memory_space<vmem>>
      %dma_start3A_93 = tpu.memref_squeeze %dma_start3A_92 : memref<1x1x128xi32, #tpu.memory_space<vmem>> -> memref<128xi32, #tpu.memory_space<vmem>>
      %dma_start3A_94 = arith.constant 0 : i32
      %dma_start3A_95 = arith.constant 0 : i32
      %dma_start3A_96 = tpu.memref_slice %arg2[%dma_start3A_94, %dma_start3A_95] : memref<1000000x64xf32, #tpu.memory_space<hbm>> -> memref<1000000x64xf32, #tpu.memory_space<hbm>>
      tpu.enqueue_indirect_dma source(%dma_start3A_96 : memref<1000000x64xf32, #tpu.memory_space<hbm>>) target(%dma_start3A_90 : memref<128x64xf32, #tpu.memory_space<vmem>>) offsets(%dma_start3A_93 : memref<128xi32, #tpu.memory_space<vmem>>) semaphore(%arg7 : memref<!tpu.dma_semaphore, #tpu.memory_space<semaphore_mem>>)
      %dma_start3A_97 = arith.constant 8 : i32
      %dma_start3A_98 = arith.constant 0 : i32
      %dma_start3A_99 = arith.constant 1024 : i32
      %dma_start3A_100 = arith.constant 0 : i32
      %dma_start3A_101 = tpu.memref_slice %arg6[%dma_start3A_99, %dma_start3A_100] : memref<1280x64xf32, #tpu.memory_space<vmem>> -> memref<128x64xf32, #tpu.memory_space<vmem>>
      %dma_start3A_102 = arith.constant 0 : i32
      %dma_start3A_103 = tpu.memref_slice %arg5[%dma_start3A_97, %dma_start3A_98, %dma_start3A_102] : memref<10x1x128xi32, #tpu.memory_space<vmem>> -> memref<1x1x128xi32, #tpu.memory_space<vmem>>
      %dma_start3A_104 = tpu.memref_squeeze %dma_start3A_103 : memref<1x1x128xi32, #tpu.memory_space<vmem>> -> memref<128xi32, #tpu.memory_space<vmem>>
      %dma_start3A_105 = arith.constant 0 : i32
      %dma_start3A_106 = arith.constant 0 : i32
      %dma_start3A_107 = tpu.memref_slice %arg2[%dma_start3A_105, %dma_start3A_106] : memref<1000000x64xf32, #tpu.memory_space<hbm>> -> memref<1000000x64xf32, #tpu.memory_space<hbm>>
      tpu.enqueue_indirect_dma source(%dma_start3A_107 : memref<1000000x64xf32, #tpu.memory_space<hbm>>) target(%dma_start3A_101 : memref<128x64xf32, #tpu.memory_space<vmem>>) offsets(%dma_start3A_104 : memref<128xi32, #tpu.memory_space<vmem>>) semaphore(%arg7 : memref<!tpu.dma_semaphore, #tpu.memory_space<semaphore_mem>>)
      %dma_start3A_108 = arith.constant 9 : i32
      %dma_start3A_109 = arith.constant 0 : i32
      %dma_start3A_110 = arith.constant 1152 : i32
      %dma_start3A_111 = arith.constant 0 : i32
      %dma_start3A_112 = tpu.memref_slice %arg6[%dma_start3A_110, %dma_start3A_111] : memref<1280x64xf32, #tpu.memory_space<vmem>> -> memref<128x64xf32, #tpu.memory_space<vmem>>
      %dma_start3A_113 = arith.constant 0 : i32
      %dma_start3A_114 = tpu.memref_slice %arg5[%dma_start3A_108, %dma_start3A_109, %dma_start3A_113] : memref<10x1x128xi32, #tpu.memory_space<vmem>> -> memref<1x1x128xi32, #tpu.memory_space<vmem>>
      %dma_start3A_115 = tpu.memref_squeeze %dma_start3A_114 : memref<1x1x128xi32, #tpu.memory_space<vmem>> -> memref<128xi32, #tpu.memory_space<vmem>>
      %dma_start3A_116 = arith.constant 0 : i32
      %dma_start3A_117 = arith.constant 0 : i32
      %dma_start3A_118 = tpu.memref_slice %arg2[%dma_start3A_116, %dma_start3A_117] : memref<1000000x64xf32, #tpu.memory_space<hbm>> -> memref<1000000x64xf32, #tpu.memory_space<hbm>>
      tpu.enqueue_indirect_dma source(%dma_start3A_118 : memref<1000000x64xf32, #tpu.memory_space<hbm>>) target(%dma_start3A_112 : memref<128x64xf32, #tpu.memory_space<vmem>>) offsets(%dma_start3A_115 : memref<128xi32, #tpu.memory_space<vmem>>) semaphore(%arg7 : memref<!tpu.dma_semaphore, #tpu.memory_space<semaphore_mem>>)
      %dma_wait3A = arith.constant 0 : i32
      %dma_wait3A_119 = arith.constant 0 : i32
      %dma_wait3A_120 = arith.constant 0 : i32
      %dma_wait3A_121 = arith.constant 0 : i32
      %dma_wait3A_122 = tpu.memref_slice %arg6[%dma_wait3A_120, %dma_wait3A_121] : memref<1280x64xf32, #tpu.memory_space<vmem>> -> memref<128x64xf32, #tpu.memory_space<vmem>>
      %dma_wait3A_123 = arith.constant 0 : i32
      %dma_wait3A_124 = tpu.memref_slice %arg5[%dma_wait3A, %dma_wait3A_119, %dma_wait3A_123] : memref<10x1x128xi32, #tpu.memory_space<vmem>> -> memref<1x1x128xi32, #tpu.memory_space<vmem>>
      %dma_wait3A_125 = tpu.memref_squeeze %dma_wait3A_124 : memref<1x1x128xi32, #tpu.memory_space<vmem>> -> memref<128xi32, #tpu.memory_space<vmem>>
      %dma_wait3A_126 = arith.constant 0 : i32
      %dma_wait3A_127 = arith.constant 0 : i32
      %dma_wait3A_128 = tpu.memref_slice %arg2[%dma_wait3A_126, %dma_wait3A_127] : memref<1000000x64xf32, #tpu.memory_space<hbm>> -> memref<1000000x64xf32, #tpu.memory_space<hbm>>
      tpu.wait_indirect_dma semaphore(%arg7 : memref<!tpu.dma_semaphore, #tpu.memory_space<semaphore_mem>>) src(%dma_wait3A_128 : memref<1000000x64xf32, #tpu.memory_space<hbm>>) dst(%dma_wait3A_122 : memref<128x64xf32, #tpu.memory_space<vmem>>)
      %dma_wait3A_129 = arith.constant 1 : i32
      %dma_wait3A_130 = arith.constant 0 : i32
      %dma_wait3A_131 = arith.constant 128 : i32
      %dma_wait3A_132 = arith.constant 0 : i32
      %dma_wait3A_133 = tpu.memref_slice %arg6[%dma_wait3A_131, %dma_wait3A_132] : memref<1280x64xf32, #tpu.memory_space<vmem>> -> memref<128x64xf32, #tpu.memory_space<vmem>>
      %dma_wait3A_134 = arith.constant 0 : i32
      %dma_wait3A_135 = tpu.memref_slice %arg5[%dma_wait3A_129, %dma_wait3A_130, %dma_wait3A_134] : memref<10x1x128xi32, #tpu.memory_space<vmem>> -> memref<1x1x128xi32, #tpu.memory_space<vmem>>
      %dma_wait3A_136 = tpu.memref_squeeze %dma_wait3A_135 : memref<1x1x128xi32, #tpu.memory_space<vmem>> -> memref<128xi32, #tpu.memory_space<vmem>>
      %dma_wait3A_137 = arith.constant 0 : i32
      %dma_wait3A_138 = arith.constant 0 : i32
      %dma_wait3A_139 = tpu.memref_slice %arg2[%dma_wait3A_137, %dma_wait3A_138] : memref<1000000x64xf32, #tpu.memory_space<hbm>> -> memref<1000000x64xf32, #tpu.memory_space<hbm>>
      tpu.wait_indirect_dma semaphore(%arg7 : memref<!tpu.dma_semaphore, #tpu.memory_space<semaphore_mem>>) src(%dma_wait3A_139 : memref<1000000x64xf32, #tpu.memory_space<hbm>>) dst(%dma_wait3A_133 : memref<128x64xf32, #tpu.memory_space<vmem>>)
      %dma_wait3A_140 = arith.constant 2 : i32
      %dma_wait3A_141 = arith.constant 0 : i32
      %dma_wait3A_142 = arith.constant 256 : i32
      %dma_wait3A_143 = arith.constant 0 : i32
      %dma_wait3A_144 = tpu.memref_slice %arg6[%dma_wait3A_142, %dma_wait3A_143] : memref<1280x64xf32, #tpu.memory_space<vmem>> -> memref<128x64xf32, #tpu.memory_space<vmem>>
      %dma_wait3A_145 = arith.constant 0 : i32
      %dma_wait3A_146 = tpu.memref_slice %arg5[%dma_wait3A_140, %dma_wait3A_141, %dma_wait3A_145] : memref<10x1x128xi32, #tpu.memory_space<vmem>> -> memref<1x1x128xi32, #tpu.memory_space<vmem>>
      %dma_wait3A_147 = tpu.memref_squeeze %dma_wait3A_146 : memref<1x1x128xi32, #tpu.memory_space<vmem>> -> memref<128xi32, #tpu.memory_space<vmem>>
      %dma_wait3A_148 = arith.constant 0 : i32
      %dma_wait3A_149 = arith.constant 0 : i32
      %dma_wait3A_150 = tpu.memref_slice %arg2[%dma_wait3A_148, %dma_wait3A_149] : memref<1000000x64xf32, #tpu.memory_space<hbm>> -> memref<1000000x64xf32, #tpu.memory_space<hbm>>
      tpu.wait_indirect_dma semaphore(%arg7 : memref<!tpu.dma_semaphore, #tpu.memory_space<semaphore_mem>>) src(%dma_wait3A_150 : memref<1000000x64xf32, #tpu.memory_space<hbm>>) dst(%dma_wait3A_144 : memref<128x64xf32, #tpu.memory_space<vmem>>)
      %dma_wait3A_151 = arith.constant 3 : i32
      %dma_wait3A_152 = arith.constant 0 : i32
      %dma_wait3A_153 = arith.constant 384 : i32
      %dma_wait3A_154 = arith.constant 0 : i32
      %dma_wait3A_155 = tpu.memref_slice %arg6[%dma_wait3A_153, %dma_wait3A_154] : memref<1280x64xf32, #tpu.memory_space<vmem>> -> memref<128x64xf32, #tpu.memory_space<vmem>>
      %dma_wait3A_156 = arith.constant 0 : i32
      %dma_wait3A_157 = tpu.memref_slice %arg5[%dma_wait3A_151, %dma_wait3A_152, %dma_wait3A_156] : memref<10x1x128xi32, #tpu.memory_space<vmem>> -> memref<1x1x128xi32, #tpu.memory_space<vmem>>
      %dma_wait3A_158 = tpu.memref_squeeze %dma_wait3A_157 : memref<1x1x128xi32, #tpu.memory_space<vmem>> -> memref<128xi32, #tpu.memory_space<vmem>>
      %dma_wait3A_159 = arith.constant 0 : i32
      %dma_wait3A_160 = arith.constant 0 : i32
      %dma_wait3A_161 = tpu.memref_slice %arg2[%dma_wait3A_159, %dma_wait3A_160] : memref<1000000x64xf32, #tpu.memory_space<hbm>> -> memref<1000000x64xf32, #tpu.memory_space<hbm>>
      tpu.wait_indirect_dma semaphore(%arg7 : memref<!tpu.dma_semaphore, #tpu.memory_space<semaphore_mem>>) src(%dma_wait3A_161 : memref<1000000x64xf32, #tpu.memory_space<hbm>>) dst(%dma_wait3A_155 : memref<128x64xf32, #tpu.memory_space<vmem>>)
      %dma_wait3A_162 = arith.constant 4 : i32
      %dma_wait3A_163 = arith.constant 0 : i32
      %dma_wait3A_164 = arith.constant 512 : i32
      %dma_wait3A_165 = arith.constant 0 : i32
      %dma_wait3A_166 = tpu.memref_slice %arg6[%dma_wait3A_164, %dma_wait3A_165] : memref<1280x64xf32, #tpu.memory_space<vmem>> -> memref<128x64xf32, #tpu.memory_space<vmem>>
      %dma_wait3A_167 = arith.constant 0 : i32
      %dma_wait3A_168 = tpu.memref_slice %arg5[%dma_wait3A_162, %dma_wait3A_163, %dma_wait3A_167] : memref<10x1x128xi32, #tpu.memory_space<vmem>> -> memref<1x1x128xi32, #tpu.memory_space<vmem>>
      %dma_wait3A_169 = tpu.memref_squeeze %dma_wait3A_168 : memref<1x1x128xi32, #tpu.memory_space<vmem>> -> memref<128xi32, #tpu.memory_space<vmem>>
      %dma_wait3A_170 = arith.constant 0 : i32
      %dma_wait3A_171 = arith.constant 0 : i32
      %dma_wait3A_172 = tpu.memref_slice %arg2[%dma_wait3A_170, %dma_wait3A_171] : memref<1000000x64xf32, #tpu.memory_space<hbm>> -> memref<1000000x64xf32, #tpu.memory_space<hbm>>
      tpu.wait_indirect_dma semaphore(%arg7 : memref<!tpu.dma_semaphore, #tpu.memory_space<semaphore_mem>>) src(%dma_wait3A_172 : memref<1000000x64xf32, #tpu.memory_space<hbm>>) dst(%dma_wait3A_166 : memref<128x64xf32, #tpu.memory_space<vmem>>)
      %dma_wait3A_173 = arith.constant 5 : i32
      %dma_wait3A_174 = arith.constant 0 : i32
      %dma_wait3A_175 = arith.constant 640 : i32
      %dma_wait3A_176 = arith.constant 0 : i32
      %dma_wait3A_177 = tpu.memref_slice %arg6[%dma_wait3A_175, %dma_wait3A_176] : memref<1280x64xf32, #tpu.memory_space<vmem>> -> memref<128x64xf32, #tpu.memory_space<vmem>>
      %dma_wait3A_178 = arith.constant 0 : i32
      %dma_wait3A_179 = tpu.memref_slice %arg5[%dma_wait3A_173, %dma_wait3A_174, %dma_wait3A_178] : memref<10x1x128xi32, #tpu.memory_space<vmem>> -> memref<1x1x128xi32, #tpu.memory_space<vmem>>
      %dma_wait3A_180 = tpu.memref_squeeze %dma_wait3A_179 : memref<1x1x128xi32, #tpu.memory_space<vmem>> -> memref<128xi32, #tpu.memory_space<vmem>>
      %dma_wait3A_181 = arith.constant 0 : i32
      %dma_wait3A_182 = arith.constant 0 : i32
      %dma_wait3A_183 = tpu.memref_slice %arg2[%dma_wait3A_181, %dma_wait3A_182] : memref<1000000x64xf32, #tpu.memory_space<hbm>> -> memref<1000000x64xf32, #tpu.memory_space<hbm>>
      tpu.wait_indirect_dma semaphore(%arg7 : memref<!tpu.dma_semaphore, #tpu.memory_space<semaphore_mem>>) src(%dma_wait3A_183 : memref<1000000x64xf32, #tpu.memory_space<hbm>>) dst(%dma_wait3A_177 : memref<128x64xf32, #tpu.memory_space<vmem>>)
      %dma_wait3A_184 = arith.constant 6 : i32
      %dma_wait3A_185 = arith.constant 0 : i32
      %dma_wait3A_186 = arith.constant 768 : i32
      %dma_wait3A_187 = arith.constant 0 : i32
      %dma_wait3A_188 = tpu.memref_slice %arg6[%dma_wait3A_186, %dma_wait3A_187] : memref<1280x64xf32, #tpu.memory_space<vmem>> -> memref<128x64xf32, #tpu.memory_space<vmem>>
      %dma_wait3A_189 = arith.constant 0 : i32
      %dma_wait3A_190 = tpu.memref_slice %arg5[%dma_wait3A_184, %dma_wait3A_185, %dma_wait3A_189] : memref<10x1x128xi32, #tpu.memory_space<vmem>> -> memref<1x1x128xi32, #tpu.memory_space<vmem>>
      %dma_wait3A_191 = tpu.memref_squeeze %dma_wait3A_190 : memref<1x1x128xi32, #tpu.memory_space<vmem>> -> memref<128xi32, #tpu.memory_space<vmem>>
      %dma_wait3A_192 = arith.constant 0 : i32
      %dma_wait3A_193 = arith.constant 0 : i32
      %dma_wait3A_194 = tpu.memref_slice %arg2[%dma_wait3A_192, %dma_wait3A_193] : memref<1000000x64xf32, #tpu.memory_space<hbm>> -> memref<1000000x64xf32, #tpu.memory_space<hbm>>
      tpu.wait_indirect_dma semaphore(%arg7 : memref<!tpu.dma_semaphore, #tpu.memory_space<semaphore_mem>>) src(%dma_wait3A_194 : memref<1000000x64xf32, #tpu.memory_space<hbm>>) dst(%dma_wait3A_188 : memref<128x64xf32, #tpu.memory_space<vmem>>)
      %dma_wait3A_195 = arith.constant 7 : i32
      %dma_wait3A_196 = arith.constant 0 : i32
      %dma_wait3A_197 = arith.constant 896 : i32
      %dma_wait3A_198 = arith.constant 0 : i32
      %dma_wait3A_199 = tpu.memref_slice %arg6[%dma_wait3A_197, %dma_wait3A_198] : memref<1280x64xf32, #tpu.memory_space<vmem>> -> memref<128x64xf32, #tpu.memory_space<vmem>>
      %dma_wait3A_200 = arith.constant 0 : i32
      %dma_wait3A_201 = tpu.memref_slice %arg5[%dma_wait3A_195, %dma_wait3A_196, %dma_wait3A_200] : memref<10x1x128xi32, #tpu.memory_space<vmem>> -> memref<1x1x128xi32, #tpu.memory_space<vmem>>
      %dma_wait3A_202 = tpu.memref_squeeze %dma_wait3A_201 : memref<1x1x128xi32, #tpu.memory_space<vmem>> -> memref<128xi32, #tpu.memory_space<vmem>>
      %dma_wait3A_203 = arith.constant 0 : i32
      %dma_wait3A_204 = arith.constant 0 : i32
      %dma_wait3A_205 = tpu.memref_slice %arg2[%dma_wait3A_203, %dma_wait3A_204] : memref<1000000x64xf32, #tpu.memory_space<hbm>> -> memref<1000000x64xf32, #tpu.memory_space<hbm>>
      tpu.wait_indirect_dma semaphore(%arg7 : memref<!tpu.dma_semaphore, #tpu.memory_space<semaphore_mem>>) src(%dma_wait3A_205 : memref<1000000x64xf32, #tpu.memory_space<hbm>>) dst(%dma_wait3A_199 : memref<128x64xf32, #tpu.memory_space<vmem>>)
      %dma_wait3A_206 = arith.constant 8 : i32
      %dma_wait3A_207 = arith.constant 0 : i32
      %dma_wait3A_208 = arith.constant 1024 : i32
      %dma_wait3A_209 = arith.constant 0 : i32
      %dma_wait3A_210 = tpu.memref_slice %arg6[%dma_wait3A_208, %dma_wait3A_209] : memref<1280x64xf32, #tpu.memory_space<vmem>> -> memref<128x64xf32, #tpu.memory_space<vmem>>
      %dma_wait3A_211 = arith.constant 0 : i32
      %dma_wait3A_212 = tpu.memref_slice %arg5[%dma_wait3A_206, %dma_wait3A_207, %dma_wait3A_211] : memref<10x1x128xi32, #tpu.memory_space<vmem>> -> memref<1x1x128xi32, #tpu.memory_space<vmem>>
      %dma_wait3A_213 = tpu.memref_squeeze %dma_wait3A_212 : memref<1x1x128xi32, #tpu.memory_space<vmem>> -> memref<128xi32, #tpu.memory_space<vmem>>
      %dma_wait3A_214 = arith.constant 0 : i32
      %dma_wait3A_215 = arith.constant 0 : i32
      %dma_wait3A_216 = tpu.memref_slice %arg2[%dma_wait3A_214, %dma_wait3A_215] : memref<1000000x64xf32, #tpu.memory_space<hbm>> -> memref<1000000x64xf32, #tpu.memory_space<hbm>>
      tpu.wait_indirect_dma semaphore(%arg7 : memref<!tpu.dma_semaphore, #tpu.memory_space<semaphore_mem>>) src(%dma_wait3A_216 : memref<1000000x64xf32, #tpu.memory_space<hbm>>) dst(%dma_wait3A_210 : memref<128x64xf32, #tpu.memory_space<vmem>>)
      %dma_wait3A_217 = arith.constant 9 : i32
      %dma_wait3A_218 = arith.constant 0 : i32
      %dma_wait3A_219 = arith.constant 1152 : i32
      %dma_wait3A_220 = arith.constant 0 : i32
      %dma_wait3A_221 = tpu.memref_slice %arg6[%dma_wait3A_219, %dma_wait3A_220] : memref<1280x64xf32, #tpu.memory_space<vmem>> -> memref<128x64xf32, #tpu.memory_space<vmem>>
      %dma_wait3A_222 = arith.constant 0 : i32
      %dma_wait3A_223 = tpu.memref_slice %arg5[%dma_wait3A_217, %dma_wait3A_218, %dma_wait3A_222] : memref<10x1x128xi32, #tpu.memory_space<vmem>> -> memref<1x1x128xi32, #tpu.memory_space<vmem>>
      %dma_wait3A_224 = tpu.memref_squeeze %dma_wait3A_223 : memref<1x1x128xi32, #tpu.memory_space<vmem>> -> memref<128xi32, #tpu.memory_space<vmem>>
      %dma_wait3A_225 = arith.constant 0 : i32
      %dma_wait3A_226 = arith.constant 0 : i32
      %dma_wait3A_227 = tpu.memref_slice %arg2[%dma_wait3A_225, %dma_wait3A_226] : memref<1000000x64xf32, #tpu.memory_space<hbm>> -> memref<1000000x64xf32, #tpu.memory_space<hbm>>
      tpu.wait_indirect_dma semaphore(%arg7 : memref<!tpu.dma_semaphore, #tpu.memory_space<semaphore_mem>>) src(%dma_wait3A_227 : memref<1000000x64xf32, #tpu.memory_space<hbm>>) dst(%dma_wait3A_221 : memref<128x64xf32, #tpu.memory_space<vmem>>)
      %mul3A_228 = arith.constant 1280 : i32
      %mul3A_229 = arith.muli %add3A_9, %mul3A_228 : i32
      "tpu.region"() ({
        %run_scoped3A = tpu.sem_alloc : memref<!tpu.dma_semaphore, #tpu.memory_space<semaphore_mem>>
        %dma_start3A_230 = arith.constant 0 : i32
        %dma_start3A_231 = tpu.memref_slice %arg4[%mul3A_229, %dma_start3A_230] : memref<204800x64xf32, #tpu.memory_space<hbm>> -> memref<1280x64xf32, #tpu.memory_space<hbm>>
        %dma_start3A_232 = arith.constant 0 : i32
        %dma_start3A_233 = tpu.memref_slice %arg4[%mul3A_229, %dma_start3A_232] : memref<204800x64xf32, #tpu.memory_space<hbm>> -> memref<1280x64xf32, #tpu.memory_space<hbm>>
        tpu.enqueue_dma source(%arg6 : memref<1280x64xf32, #tpu.memory_space<vmem>>) target(%dma_start3A_233 : memref<1280x64xf32, #tpu.memory_space<hbm>>) target_semaphore(%run_scoped3A : memref<!tpu.dma_semaphore, #tpu.memory_space<semaphore_mem>>)
        %dma_wait3A_234 = arith.constant 0 : i32
        %dma_wait3A_235 = tpu.memref_slice %arg4[%mul3A_229, %dma_wait3A_234] : memref<204800x64xf32, #tpu.memory_space<hbm>> -> memref<1280x64xf32, #tpu.memory_space<hbm>>
        %dma_wait3A_236 = arith.constant 0 : i32
        %dma_wait3A_237 = tpu.memref_slice %arg4[%mul3A_229, %dma_wait3A_236] : memref<204800x64xf32, #tpu.memory_space<hbm>> -> memref<1280x64xf32, #tpu.memory_space<hbm>>
        tpu.wait_dma2 semaphore(%run_scoped3A : memref<!tpu.dma_semaphore, #tpu.memory_space<semaphore_mem>>) src(%arg6 : memref<1280x64xf32, #tpu.memory_space<vmem>>) dst(%dma_wait3A_237 : memref<1280x64xf32, #tpu.memory_space<hbm>>)
        tpu.yield
      }) : () -> ()
    }
    %scan3A_5 = arith.constant 5 : i32
    return
  }
}

module attributes {stable_mosaic.version = 14 : i64} {
  func.func @_gru_step(%arg0: i32, %arg1: memref<8192x64xf32, #tpu.memory_space<vmem>>, %arg2: memref<64x384xf32, #tpu.memory_space<vmem>>, %arg3: memref<128x384xf32, #tpu.memory_space<vmem>>, %arg4: memref<1x384xf32, #tpu.memory_space<vmem>>, %arg5: memref<1x384xf32, #tpu.memory_space<vmem>>, %arg6: memref<1024x8x128xf32, #tpu.memory_space<vmem>>, %arg7: memref<1x1024x128xf32, #tpu.memory_space<vmem>>, %arg8: memref<1024x128xf32, #tpu.memory_space<vmem>>) attributes {dimension_semantics = [#tpu.dimension_semantics<arbitrary>], iteration_bounds = array<i64: 25>, scalar_prefetch = 0 : i64, scratch_operands = 1 : i64, tpu.core_type = #tpu.core_type<tc>, window_params = [{transform_indices = @transform_0, window_bounds = array<i64: 8192, 64>}, {pipeline_mode = #tpu.pipeline_mode<synchronous>, transform_indices = @transform_1, window_bounds = array<i64: 64, 384>}, {pipeline_mode = #tpu.pipeline_mode<synchronous>, transform_indices = @transform_2, window_bounds = array<i64: 128, 384>}, {pipeline_mode = #tpu.pipeline_mode<synchronous>, transform_indices = @transform_3, window_bounds = array<i64: 1, 384>}, {pipeline_mode = #tpu.pipeline_mode<synchronous>, transform_indices = @transform_4, window_bounds = array<i64: 1, 384>}, {transform_indices = @transform_5, window_bounds = array<i64: 1024, 8, 128>}, {pipeline_mode = #tpu.pipeline_mode<synchronous>, transform_indices = @transform_6, window_bounds = array<i64: 1, 1024, 128>}]} {
    %eq3A = arith.constant 0 : i32
    %eq3A_0 = arith.cmpi eq, %arg0, %eq3A : i32
    %convert_element_type3A = arith.extui %eq3A_0 : i1 to i32
    %cond3A = arith.constant 0 : i32
    %cond3A_1 = arith.cmpi ne, %convert_element_type3A, %cond3A : i32
    scf.if %cond3A_1 {
      %broadcast_in_dim3A = arith.constant 0.000000e+00 : f32
      %broadcast_in_dim3A_509 = vector.broadcast %broadcast_in_dim3A : f32 to vector<1024x128xf32>
      %swap3A_510 = arith.constant 0 : index
      %swap3A_511 = arith.constant 0 : index
      %swap3A_512 = vector.load %arg8[%swap3A_510, %swap3A_511] : memref<1024x128xf32, #tpu.memory_space<vmem>>, vector<1024x128xf32>
      tpu.vector_store %arg8[%swap3A_510, %swap3A_511], %broadcast_in_dim3A_509 {strides = array<i32>} : memref<1024x128xf32, #tpu.memory_space<vmem>>, vector<1024x128xf32>,
    } else {
    }
    %get3A = arith.constant 0 : index
    %get3A_2 = arith.constant 0 : index
    %get3A_3 = vector.load %arg8[%get3A, %get3A_2] : memref<1024x128xf32, #tpu.memory_space<vmem>>, vector<1024x128xf32>
    %get3A_4 = arith.constant 0 : index
    %get3A_5 = arith.constant 0 : index
    %get3A_6 = vector.load %arg1[%get3A_4, %get3A_5] : memref<8192x64xf32, #tpu.memory_space<vmem>>, vector<1024x64xf32>
    %get3A_7 = arith.constant 0 : index
    %get3A_8 = arith.constant 0 : index
    %get3A_9 = vector.load %arg2[%get3A_7, %get3A_8] : memref<64x384xf32, #tpu.memory_space<vmem>>, vector<64x384xf32>
    %dot_general3A = arith.constant dense<0.000000e+00> : vector<1024x384xf32>
    %dot_general3A_10 = tpu.matmul %get3A_6, %get3A_9, %dot_general3A {dimension_numbers = #tpu.dot_dimension_numbers<[1], [0], [0], [1], [0, 0, 1, 1], [], []>, transpose_lhs_hint = false} : vector<1024x64xf32>, vector<64x384xf32>, vector<1024x384xf32> -> vector<1024x384xf32>
    %get3A_11 = arith.constant 0 : index
    %get3A_12 = arith.constant 0 : index
    %get3A_13 = vector.load %arg4[%get3A_11, %get3A_12] : memref<1x384xf32, #tpu.memory_space<vmem>>, vector<1x384xf32>
    %add3A = vector.broadcast %get3A_13 : vector<1x384xf32> to vector<1024x384xf32>
    %add3A_14 = arith.addf %dot_general3A_10, %add3A : vector<1024x384xf32>
    %get3A_15 = arith.constant 0 : index
    %get3A_16 = arith.constant 0 : index
    %get3A_17 = vector.load %arg3[%get3A_15, %get3A_16] : memref<128x384xf32, #tpu.memory_space<vmem>>, vector<128x384xf32>
    %dot_general3A_18 = arith.constant dense<0.000000e+00> : vector<1024x384xf32>
    %dot_general3A_19 = tpu.matmul %get3A_3, %get3A_17, %dot_general3A_18 {dimension_numbers = #tpu.dot_dimension_numbers<[1], [0], [0], [1], [0, 0, 1, 1], [], []>, transpose_lhs_hint = false} : vector<1024x128xf32>, vector<128x384xf32>, vector<1024x384xf32> -> vector<1024x384xf32>
    %get3A_20 = arith.constant 0 : index
    %get3A_21 = arith.constant 0 : index
    %get3A_22 = vector.load %arg5[%get3A_20, %get3A_21] : memref<1x384xf32, #tpu.memory_space<vmem>>, vector<1x384xf32>
    %add3A_23 = vector.broadcast %get3A_22 : vector<1x384xf32> to vector<1024x384xf32>
    %add3A_24 = arith.addf %dot_general3A_19, %add3A_23 : vector<1024x384xf32>
    %slice3A = vector.extract_strided_slice %add3A_14 {offsets = [0, 0], sizes = [1024, 128], strides = [1, 1]} : vector<1024x384xf32> to vector<1024x128xf32>
    %slice3A_25 = vector.extract_strided_slice %add3A_24 {offsets = [0, 0], sizes = [1024, 128], strides = [1, 1]} : vector<1024x384xf32> to vector<1024x128xf32>
    %add3A_26 = arith.addf %slice3A, %slice3A_25 : vector<1024x128xf32>
    %mul3A = arith.constant 5.000000e-01 : f32
    %mul3A_27 = vector.broadcast %mul3A : f32 to vector<1024x128xf32>
    %mul3A_28 = arith.mulf %mul3A_27, %add3A_26 : vector<1024x128xf32>
    %tanh3A = math.tanh %mul3A_28 : vector<1024x128xf32>
    %mul3A_29 = arith.constant 5.000000e-01 : f32
    %mul3A_30 = vector.broadcast %mul3A_29 : f32 to vector<1024x128xf32>
    %mul3A_31 = arith.mulf %mul3A_30, %tanh3A : vector<1024x128xf32>
    %add3A_32 = arith.constant 5.000000e-01 : f32
    %add3A_33 = vector.broadcast %add3A_32 : f32 to vector<1024x128xf32>
    %add3A_34 = arith.addf %add3A_33, %mul3A_31 : vector<1024x128xf32>
    %slice3A_35 = vector.extract_strided_slice %add3A_14 {offsets = [0, 128], sizes = [1024, 128], strides = [1, 1]} : vector<1024x384xf32> to vector<1024x128xf32>
    %slice3A_36 = vector.extract_strided_slice %add3A_24 {offsets = [0, 128], sizes = [1024, 128], strides = [1, 1]} : vector<1024x384xf32> to vector<1024x128xf32>
    %add3A_37 = arith.addf %slice3A_35, %slice3A_36 : vector<1024x128xf32>
    %mul3A_38 = arith.constant 5.000000e-01 : f32
    %mul3A_39 = vector.broadcast %mul3A_38 : f32 to vector<1024x128xf32>
    %mul3A_40 = arith.mulf %mul3A_39, %add3A_37 : vector<1024x128xf32>
    %tanh3A_41 = math.tanh %mul3A_40 : vector<1024x128xf32>
    %mul3A_42 = arith.constant 5.000000e-01 : f32
    %mul3A_43 = vector.broadcast %mul3A_42 : f32 to vector<1024x128xf32>
    %mul3A_44 = arith.mulf %mul3A_43, %tanh3A_41 : vector<1024x128xf32>
    %add3A_45 = arith.constant 5.000000e-01 : f32
    %add3A_46 = vector.broadcast %add3A_45 : f32 to vector<1024x128xf32>
    %add3A_47 = arith.addf %add3A_46, %mul3A_44 : vector<1024x128xf32>
    %slice3A_48 = vector.extract_strided_slice %add3A_14 {offsets = [0, 256], sizes = [1024, 128], strides = [1, 1]} : vector<1024x384xf32> to vector<1024x128xf32>
    %slice3A_49 = vector.extract_strided_slice %add3A_24 {offsets = [0, 256], sizes = [1024, 128], strides = [1, 1]} : vector<1024x384xf32> to vector<1024x128xf32>
    %mul3A_50 = arith.mulf %add3A_34, %slice3A_49 : vector<1024x128xf32>
    %add3A_51 = arith.addf %slice3A_48, %mul3A_50 : vector<1024x128xf32>
    %tanh3A_52 = math.tanh %add3A_51 : vector<1024x128xf32>
    %sub3A = arith.subf %get3A_3, %tanh3A_52 : vector<1024x128xf32>
    %mul3A_53 = arith.mulf %add3A_47, %sub3A : vector<1024x128xf32>
    %add3A_54 = arith.addf %tanh3A_52, %mul3A_53 : vector<1024x128xf32>
    %swap3A = arith.constant 0 : index
    %swap3A_55 = arith.constant 0 : index
    %swap3A_56 = arith.constant 0 : index
    %swap3A_57 = vector.load %arg6[%swap3A, %swap3A_55, %swap3A_56] : memref<1024x8x128xf32, #tpu.memory_space<vmem>>, vector<1024x1x128xf32>
    %swap3A_58 = vector.shape_cast %swap3A_57 : vector<1024x1x128xf32> to vector<1024x128xf32>
    %swap3A_59 = vector.shape_cast %add3A_54 : vector<1024x128xf32> to vector<1024x1x128xf32>
    tpu.vector_store %arg6[%swap3A, %swap3A_55, %swap3A_56], %swap3A_59 {strides = array<i32>} : memref<1024x8x128xf32, #tpu.memory_space<vmem>>, vector<1024x1x128xf32>,
    %get3A_60 = arith.constant 1024 : index
    %get3A_61 = arith.constant 0 : index
    %get3A_62 = vector.load %arg1[%get3A_60, %get3A_61] : memref<8192x64xf32, #tpu.memory_space<vmem>>, vector<1024x64xf32>
    %get3A_63 = arith.constant 0 : index
    %get3A_64 = arith.constant 0 : index
    %get3A_65 = vector.load %arg2[%get3A_63, %get3A_64] : memref<64x384xf32, #tpu.memory_space<vmem>>, vector<64x384xf32>
    %dot_general3A_66 = arith.constant dense<0.000000e+00> : vector<1024x384xf32>
    %dot_general3A_67 = tpu.matmul %get3A_62, %get3A_65, %dot_general3A_66 {dimension_numbers = #tpu.dot_dimension_numbers<[1], [0], [0], [1], [0, 0, 1, 1], [], []>, transpose_lhs_hint = false} : vector<1024x64xf32>, vector<64x384xf32>, vector<1024x384xf32> -> vector<1024x384xf32>
    %get3A_68 = arith.constant 0 : index
    %get3A_69 = arith.constant 0 : index
    %get3A_70 = vector.load %arg4[%get3A_68, %get3A_69] : memref<1x384xf32, #tpu.memory_space<vmem>>, vector<1x384xf32>
    %add3A_71 = vector.broadcast %get3A_70 : vector<1x384xf32> to vector<1024x384xf32>
    %add3A_72 = arith.addf %dot_general3A_67, %add3A_71 : vector<1024x384xf32>
    %get3A_73 = arith.constant 0 : index
    %get3A_74 = arith.constant 0 : index
    %get3A_75 = vector.load %arg3[%get3A_73, %get3A_74] : memref<128x384xf32, #tpu.memory_space<vmem>>, vector<128x384xf32>
    %dot_general3A_76 = arith.constant dense<0.000000e+00> : vector<1024x384xf32>
    %dot_general3A_77 = tpu.matmul %add3A_54, %get3A_75, %dot_general3A_76 {dimension_numbers = #tpu.dot_dimension_numbers<[1], [0], [0], [1], [0, 0, 1, 1], [], []>, transpose_lhs_hint = false} : vector<1024x128xf32>, vector<128x384xf32>, vector<1024x384xf32> -> vector<1024x384xf32>
    %get3A_78 = arith.constant 0 : index
    %get3A_79 = arith.constant 0 : index
    %get3A_80 = vector.load %arg5[%get3A_78, %get3A_79] : memref<1x384xf32, #tpu.memory_space<vmem>>, vector<1x384xf32>
    %add3A_81 = vector.broadcast %get3A_80 : vector<1x384xf32> to vector<1024x384xf32>
    %add3A_82 = arith.addf %dot_general3A_77, %add3A_81 : vector<1024x384xf32>
    %slice3A_83 = vector.extract_strided_slice %add3A_72 {offsets = [0, 0], sizes = [1024, 128], strides = [1, 1]} : vector<1024x384xf32> to vector<1024x128xf32>
    %slice3A_84 = vector.extract_strided_slice %add3A_82 {offsets = [0, 0], sizes = [1024, 128], strides = [1, 1]} : vector<1024x384xf32> to vector<1024x128xf32>
    %add3A_85 = arith.addf %slice3A_83, %slice3A_84 : vector<1024x128xf32>
    %mul3A_86 = arith.constant 5.000000e-01 : f32
    %mul3A_87 = vector.broadcast %mul3A_86 : f32 to vector<1024x128xf32>
    %mul3A_88 = arith.mulf %mul3A_87, %add3A_85 : vector<1024x128xf32>
    %tanh3A_89 = math.tanh %mul3A_88 : vector<1024x128xf32>
    %mul3A_90 = arith.constant 5.000000e-01 : f32
    %mul3A_91 = vector.broadcast %mul3A_90 : f32 to vector<1024x128xf32>
    %mul3A_92 = arith.mulf %mul3A_91, %tanh3A_89 : vector<1024x128xf32>
    %add3A_93 = arith.constant 5.000000e-01 : f32
    %add3A_94 = vector.broadcast %add3A_93 : f32 to vector<1024x128xf32>
    %add3A_95 = arith.addf %add3A_94, %mul3A_92 : vector<1024x128xf32>
    %slice3A_96 = vector.extract_strided_slice %add3A_72 {offsets = [0, 128], sizes = [1024, 128], strides = [1, 1]} : vector<1024x384xf32> to vector<1024x128xf32>
    %slice3A_97 = vector.extract_strided_slice %add3A_82 {offsets = [0, 128], sizes = [1024, 128], strides = [1, 1]} : vector<1024x384xf32> to vector<1024x128xf32>
    %add3A_98 = arith.addf %slice3A_96, %slice3A_97 : vector<1024x128xf32>
    %mul3A_99 = arith.constant 5.000000e-01 : f32
    %mul3A_100 = vector.broadcast %mul3A_99 : f32 to vector<1024x128xf32>
    %mul3A_101 = arith.mulf %mul3A_100, %add3A_98 : vector<1024x128xf32>
    %tanh3A_102 = math.tanh %mul3A_101 : vector<1024x128xf32>
    %mul3A_103 = arith.constant 5.000000e-01 : f32
    %mul3A_104 = vector.broadcast %mul3A_103 : f32 to vector<1024x128xf32>
    %mul3A_105 = arith.mulf %mul3A_104, %tanh3A_102 : vector<1024x128xf32>
    %add3A_106 = arith.constant 5.000000e-01 : f32
    %add3A_107 = vector.broadcast %add3A_106 : f32 to vector<1024x128xf32>
    %add3A_108 = arith.addf %add3A_107, %mul3A_105 : vector<1024x128xf32>
    %slice3A_109 = vector.extract_strided_slice %add3A_72 {offsets = [0, 256], sizes = [1024, 128], strides = [1, 1]} : vector<1024x384xf32> to vector<1024x128xf32>
    %slice3A_110 = vector.extract_strided_slice %add3A_82 {offsets = [0, 256], sizes = [1024, 128], strides = [1, 1]} : vector<1024x384xf32> to vector<1024x128xf32>
    %mul3A_111 = arith.mulf %add3A_95, %slice3A_110 : vector<1024x128xf32>
    %add3A_112 = arith.addf %slice3A_109, %mul3A_111 : vector<1024x128xf32>
    %tanh3A_113 = math.tanh %add3A_112 : vector<1024x128xf32>
    %sub3A_114 = arith.subf %add3A_54, %tanh3A_113 : vector<1024x128xf32>
    %mul3A_115 = arith.mulf %add3A_108, %sub3A_114 : vector<1024x128xf32>
    %add3A_116 = arith.addf %tanh3A_113, %mul3A_115 : vector<1024x128xf32>
    %swap3A_117 = arith.constant 0 : index
    %swap3A_118 = arith.constant 1 : index
    %swap3A_119 = arith.constant 0 : index
    %swap3A_120 = vector.load %arg6[%swap3A_117, %swap3A_118, %swap3A_119] : memref<1024x8x128xf32, #tpu.memory_space<vmem>>, vector<1024x1x128xf32>
    %swap3A_121 = vector.shape_cast %swap3A_120 : vector<1024x1x128xf32> to vector<1024x128xf32>
    %swap3A_122 = vector.shape_cast %add3A_116 : vector<1024x128xf32> to vector<1024x1x128xf32>
    tpu.vector_store %arg6[%swap3A_117, %swap3A_118, %swap3A_119], %swap3A_122 {strides = array<i32>} : memref<1024x8x128xf32, #tpu.memory_space<vmem>>, vector<1024x1x128xf32>,
    %get3A_123 = arith.constant 2048 : index
    %get3A_124 = arith.constant 0 : index
    %get3A_125 = vector.load %arg1[%get3A_123, %get3A_124] : memref<8192x64xf32, #tpu.memory_space<vmem>>, vector<1024x64xf32>
    %get3A_126 = arith.constant 0 : index
    %get3A_127 = arith.constant 0 : index
    %get3A_128 = vector.load %arg2[%get3A_126, %get3A_127] : memref<64x384xf32, #tpu.memory_space<vmem>>, vector<64x384xf32>
    %dot_general3A_129 = arith.constant dense<0.000000e+00> : vector<1024x384xf32>
    %dot_general3A_130 = tpu.matmul %get3A_125, %get3A_128, %dot_general3A_129 {dimension_numbers = #tpu.dot_dimension_numbers<[1], [0], [0], [1], [0, 0, 1, 1], [], []>, transpose_lhs_hint = false} : vector<1024x64xf32>, vector<64x384xf32>, vector<1024x384xf32> -> vector<1024x384xf32>
    %get3A_131 = arith.constant 0 : index
    %get3A_132 = arith.constant 0 : index
    %get3A_133 = vector.load %arg4[%get3A_131, %get3A_132] : memref<1x384xf32, #tpu.memory_space<vmem>>, vector<1x384xf32>
    %add3A_134 = vector.broadcast %get3A_133 : vector<1x384xf32> to vector<1024x384xf32>
    %add3A_135 = arith.addf %dot_general3A_130, %add3A_134 : vector<1024x384xf32>
    %get3A_136 = arith.constant 0 : index
    %get3A_137 = arith.constant 0 : index
    %get3A_138 = vector.load %arg3[%get3A_136, %get3A_137] : memref<128x384xf32, #tpu.memory_space<vmem>>, vector<128x384xf32>
    %dot_general3A_139 = arith.constant dense<0.000000e+00> : vector<1024x384xf32>
    %dot_general3A_140 = tpu.matmul %add3A_116, %get3A_138, %dot_general3A_139 {dimension_numbers = #tpu.dot_dimension_numbers<[1], [0], [0], [1], [0, 0, 1, 1], [], []>, transpose_lhs_hint = false} : vector<1024x128xf32>, vector<128x384xf32>, vector<1024x384xf32> -> vector<1024x384xf32>
    %get3A_141 = arith.constant 0 : index
    %get3A_142 = arith.constant 0 : index
    %get3A_143 = vector.load %arg5[%get3A_141, %get3A_142] : memref<1x384xf32, #tpu.memory_space<vmem>>, vector<1x384xf32>
    %add3A_144 = vector.broadcast %get3A_143 : vector<1x384xf32> to vector<1024x384xf32>
    %add3A_145 = arith.addf %dot_general3A_140, %add3A_144 : vector<1024x384xf32>
    %slice3A_146 = vector.extract_strided_slice %add3A_135 {offsets = [0, 0], sizes = [1024, 128], strides = [1, 1]} : vector<1024x384xf32> to vector<1024x128xf32>
    %slice3A_147 = vector.extract_strided_slice %add3A_145 {offsets = [0, 0], sizes = [1024, 128], strides = [1, 1]} : vector<1024x384xf32> to vector<1024x128xf32>
    %add3A_148 = arith.addf %slice3A_146, %slice3A_147 : vector<1024x128xf32>
    %mul3A_149 = arith.constant 5.000000e-01 : f32
    %mul3A_150 = vector.broadcast %mul3A_149 : f32 to vector<1024x128xf32>
    %mul3A_151 = arith.mulf %mul3A_150, %add3A_148 : vector<1024x128xf32>
    %tanh3A_152 = math.tanh %mul3A_151 : vector<1024x128xf32>
    %mul3A_153 = arith.constant 5.000000e-01 : f32
    %mul3A_154 = vector.broadcast %mul3A_153 : f32 to vector<1024x128xf32>
    %mul3A_155 = arith.mulf %mul3A_154, %tanh3A_152 : vector<1024x128xf32>
    %add3A_156 = arith.constant 5.000000e-01 : f32
    %add3A_157 = vector.broadcast %add3A_156 : f32 to vector<1024x128xf32>
    %add3A_158 = arith.addf %add3A_157, %mul3A_155 : vector<1024x128xf32>
    %slice3A_159 = vector.extract_strided_slice %add3A_135 {offsets = [0, 128], sizes = [1024, 128], strides = [1, 1]} : vector<1024x384xf32> to vector<1024x128xf32>
    %slice3A_160 = vector.extract_strided_slice %add3A_145 {offsets = [0, 128], sizes = [1024, 128], strides = [1, 1]} : vector<1024x384xf32> to vector<1024x128xf32>
    %add3A_161 = arith.addf %slice3A_159, %slice3A_160 : vector<1024x128xf32>
    %mul3A_162 = arith.constant 5.000000e-01 : f32
    %mul3A_163 = vector.broadcast %mul3A_162 : f32 to vector<1024x128xf32>
    %mul3A_164 = arith.mulf %mul3A_163, %add3A_161 : vector<1024x128xf32>
    %tanh3A_165 = math.tanh %mul3A_164 : vector<1024x128xf32>
    %mul3A_166 = arith.constant 5.000000e-01 : f32
    %mul3A_167 = vector.broadcast %mul3A_166 : f32 to vector<1024x128xf32>
    %mul3A_168 = arith.mulf %mul3A_167, %tanh3A_165 : vector<1024x128xf32>
    %add3A_169 = arith.constant 5.000000e-01 : f32
    %add3A_170 = vector.broadcast %add3A_169 : f32 to vector<1024x128xf32>
    %add3A_171 = arith.addf %add3A_170, %mul3A_168 : vector<1024x128xf32>
    %slice3A_172 = vector.extract_strided_slice %add3A_135 {offsets = [0, 256], sizes = [1024, 128], strides = [1, 1]} : vector<1024x384xf32> to vector<1024x128xf32>
    %slice3A_173 = vector.extract_strided_slice %add3A_145 {offsets = [0, 256], sizes = [1024, 128], strides = [1, 1]} : vector<1024x384xf32> to vector<1024x128xf32>
    %mul3A_174 = arith.mulf %add3A_158, %slice3A_173 : vector<1024x128xf32>
    %add3A_175 = arith.addf %slice3A_172, %mul3A_174 : vector<1024x128xf32>
    %tanh3A_176 = math.tanh %add3A_175 : vector<1024x128xf32>
    %sub3A_177 = arith.subf %add3A_116, %tanh3A_176 : vector<1024x128xf32>
    %mul3A_178 = arith.mulf %add3A_171, %sub3A_177 : vector<1024x128xf32>
    %add3A_179 = arith.addf %tanh3A_176, %mul3A_178 : vector<1024x128xf32>
    %swap3A_180 = arith.constant 0 : index
    %swap3A_181 = arith.constant 2 : index
    %swap3A_182 = arith.constant 0 : index
    %swap3A_183 = vector.load %arg6[%swap3A_180, %swap3A_181, %swap3A_182] : memref<1024x8x128xf32, #tpu.memory_space<vmem>>, vector<1024x1x128xf32>
    %swap3A_184 = vector.shape_cast %swap3A_183 : vector<1024x1x128xf32> to vector<1024x128xf32>
    %swap3A_185 = vector.shape_cast %add3A_179 : vector<1024x128xf32> to vector<1024x1x128xf32>
    tpu.vector_store %arg6[%swap3A_180, %swap3A_181, %swap3A_182], %swap3A_185 {strides = array<i32>} : memref<1024x8x128xf32, #tpu.memory_space<vmem>>, vector<1024x1x128xf32>,
    %get3A_186 = arith.constant 3072 : index
    %get3A_187 = arith.constant 0 : index
    %get3A_188 = vector.load %arg1[%get3A_186, %get3A_187] : memref<8192x64xf32, #tpu.memory_space<vmem>>, vector<1024x64xf32>
    %get3A_189 = arith.constant 0 : index
    %get3A_190 = arith.constant 0 : index
    %get3A_191 = vector.load %arg2[%get3A_189, %get3A_190] : memref<64x384xf32, #tpu.memory_space<vmem>>, vector<64x384xf32>
    %dot_general3A_192 = arith.constant dense<0.000000e+00> : vector<1024x384xf32>
    %dot_general3A_193 = tpu.matmul %get3A_188, %get3A_191, %dot_general3A_192 {dimension_numbers = #tpu.dot_dimension_numbers<[1], [0], [0], [1], [0, 0, 1, 1], [], []>, transpose_lhs_hint = false} : vector<1024x64xf32>, vector<64x384xf32>, vector<1024x384xf32> -> vector<1024x384xf32>
    %get3A_194 = arith.constant 0 : index
    %get3A_195 = arith.constant 0 : index
    %get3A_196 = vector.load %arg4[%get3A_194, %get3A_195] : memref<1x384xf32, #tpu.memory_space<vmem>>, vector<1x384xf32>
    %add3A_197 = vector.broadcast %get3A_196 : vector<1x384xf32> to vector<1024x384xf32>
    %add3A_198 = arith.addf %dot_general3A_193, %add3A_197 : vector<1024x384xf32>
    %get3A_199 = arith.constant 0 : index
    %get3A_200 = arith.constant 0 : index
    %get3A_201 = vector.load %arg3[%get3A_199, %get3A_200] : memref<128x384xf32, #tpu.memory_space<vmem>>, vector<128x384xf32>
    %dot_general3A_202 = arith.constant dense<0.000000e+00> : vector<1024x384xf32>
    %dot_general3A_203 = tpu.matmul %add3A_179, %get3A_201, %dot_general3A_202 {dimension_numbers = #tpu.dot_dimension_numbers<[1], [0], [0], [1], [0, 0, 1, 1], [], []>, transpose_lhs_hint = false} : vector<1024x128xf32>, vector<128x384xf32>, vector<1024x384xf32> -> vector<1024x384xf32>
    %get3A_204 = arith.constant 0 : index
    %get3A_205 = arith.constant 0 : index
    %get3A_206 = vector.load %arg5[%get3A_204, %get3A_205] : memref<1x384xf32, #tpu.memory_space<vmem>>, vector<1x384xf32>
    %add3A_207 = vector.broadcast %get3A_206 : vector<1x384xf32> to vector<1024x384xf32>
    %add3A_208 = arith.addf %dot_general3A_203, %add3A_207 : vector<1024x384xf32>
    %slice3A_209 = vector.extract_strided_slice %add3A_198 {offsets = [0, 0], sizes = [1024, 128], strides = [1, 1]} : vector<1024x384xf32> to vector<1024x128xf32>
    %slice3A_210 = vector.extract_strided_slice %add3A_208 {offsets = [0, 0], sizes = [1024, 128], strides = [1, 1]} : vector<1024x384xf32> to vector<1024x128xf32>
    %add3A_211 = arith.addf %slice3A_209, %slice3A_210 : vector<1024x128xf32>
    %mul3A_212 = arith.constant 5.000000e-01 : f32
    %mul3A_213 = vector.broadcast %mul3A_212 : f32 to vector<1024x128xf32>
    %mul3A_214 = arith.mulf %mul3A_213, %add3A_211 : vector<1024x128xf32>
    %tanh3A_215 = math.tanh %mul3A_214 : vector<1024x128xf32>
    %mul3A_216 = arith.constant 5.000000e-01 : f32
    %mul3A_217 = vector.broadcast %mul3A_216 : f32 to vector<1024x128xf32>
    %mul3A_218 = arith.mulf %mul3A_217, %tanh3A_215 : vector<1024x128xf32>
    %add3A_219 = arith.constant 5.000000e-01 : f32
    %add3A_220 = vector.broadcast %add3A_219 : f32 to vector<1024x128xf32>
    %add3A_221 = arith.addf %add3A_220, %mul3A_218 : vector<1024x128xf32>
    %slice3A_222 = vector.extract_strided_slice %add3A_198 {offsets = [0, 128], sizes = [1024, 128], strides = [1, 1]} : vector<1024x384xf32> to vector<1024x128xf32>
    %slice3A_223 = vector.extract_strided_slice %add3A_208 {offsets = [0, 128], sizes = [1024, 128], strides = [1, 1]} : vector<1024x384xf32> to vector<1024x128xf32>
    %add3A_224 = arith.addf %slice3A_222, %slice3A_223 : vector<1024x128xf32>
    %mul3A_225 = arith.constant 5.000000e-01 : f32
    %mul3A_226 = vector.broadcast %mul3A_225 : f32 to vector<1024x128xf32>
    %mul3A_227 = arith.mulf %mul3A_226, %add3A_224 : vector<1024x128xf32>
    %tanh3A_228 = math.tanh %mul3A_227 : vector<1024x128xf32>
    %mul3A_229 = arith.constant 5.000000e-01 : f32
    %mul3A_230 = vector.broadcast %mul3A_229 : f32 to vector<1024x128xf32>
    %mul3A_231 = arith.mulf %mul3A_230, %tanh3A_228 : vector<1024x128xf32>
    %add3A_232 = arith.constant 5.000000e-01 : f32
    %add3A_233 = vector.broadcast %add3A_232 : f32 to vector<1024x128xf32>
    %add3A_234 = arith.addf %add3A_233, %mul3A_231 : vector<1024x128xf32>
    %slice3A_235 = vector.extract_strided_slice %add3A_198 {offsets = [0, 256], sizes = [1024, 128], strides = [1, 1]} : vector<1024x384xf32> to vector<1024x128xf32>
    %slice3A_236 = vector.extract_strided_slice %add3A_208 {offsets = [0, 256], sizes = [1024, 128], strides = [1, 1]} : vector<1024x384xf32> to vector<1024x128xf32>
    %mul3A_237 = arith.mulf %add3A_221, %slice3A_236 : vector<1024x128xf32>
    %add3A_238 = arith.addf %slice3A_235, %mul3A_237 : vector<1024x128xf32>
    %tanh3A_239 = math.tanh %add3A_238 : vector<1024x128xf32>
    %sub3A_240 = arith.subf %add3A_179, %tanh3A_239 : vector<1024x128xf32>
    %mul3A_241 = arith.mulf %add3A_234, %sub3A_240 : vector<1024x128xf32>
    %add3A_242 = arith.addf %tanh3A_239, %mul3A_241 : vector<1024x128xf32>
    %swap3A_243 = arith.constant 0 : index
    %swap3A_244 = arith.constant 3 : index
    %swap3A_245 = arith.constant 0 : index
    %swap3A_246 = vector.load %arg6[%swap3A_243, %swap3A_244, %swap3A_245] : memref<1024x8x128xf32, #tpu.memory_space<vmem>>, vector<1024x1x128xf32>
    %swap3A_247 = vector.shape_cast %swap3A_246 : vector<1024x1x128xf32> to vector<1024x128xf32>
    %swap3A_248 = vector.shape_cast %add3A_242 : vector<1024x128xf32> to vector<1024x1x128xf32>
    tpu.vector_store %arg6[%swap3A_243, %swap3A_244, %swap3A_245], %swap3A_248 {strides = array<i32>} : memref<1024x8x128xf32, #tpu.memory_space<vmem>>, vector<1024x1x128xf32>,
    %get3A_249 = arith.constant 4096 : index
    %get3A_250 = arith.constant 0 : index
    %get3A_251 = vector.load %arg1[%get3A_249, %get3A_250] : memref<8192x64xf32, #tpu.memory_space<vmem>>, vector<1024x64xf32>
    %get3A_252 = arith.constant 0 : index
    %get3A_253 = arith.constant 0 : index
    %get3A_254 = vector.load %arg2[%get3A_252, %get3A_253] : memref<64x384xf32, #tpu.memory_space<vmem>>, vector<64x384xf32>
    %dot_general3A_255 = arith.constant dense<0.000000e+00> : vector<1024x384xf32>
    %dot_general3A_256 = tpu.matmul %get3A_251, %get3A_254, %dot_general3A_255 {dimension_numbers = #tpu.dot_dimension_numbers<[1], [0], [0], [1], [0, 0, 1, 1], [], []>, transpose_lhs_hint = false} : vector<1024x64xf32>, vector<64x384xf32>, vector<1024x384xf32> -> vector<1024x384xf32>
    %get3A_257 = arith.constant 0 : index
    %get3A_258 = arith.constant 0 : index
    %get3A_259 = vector.load %arg4[%get3A_257, %get3A_258] : memref<1x384xf32, #tpu.memory_space<vmem>>, vector<1x384xf32>
    %add3A_260 = vector.broadcast %get3A_259 : vector<1x384xf32> to vector<1024x384xf32>
    %add3A_261 = arith.addf %dot_general3A_256, %add3A_260 : vector<1024x384xf32>
    %get3A_262 = arith.constant 0 : index
    %get3A_263 = arith.constant 0 : index
    %get3A_264 = vector.load %arg3[%get3A_262, %get3A_263] : memref<128x384xf32, #tpu.memory_space<vmem>>, vector<128x384xf32>
    %dot_general3A_265 = arith.constant dense<0.000000e+00> : vector<1024x384xf32>
    %dot_general3A_266 = tpu.matmul %add3A_242, %get3A_264, %dot_general3A_265 {dimension_numbers = #tpu.dot_dimension_numbers<[1], [0], [0], [1], [0, 0, 1, 1], [], []>, transpose_lhs_hint = false} : vector<1024x128xf32>, vector<128x384xf32>, vector<1024x384xf32> -> vector<1024x384xf32>
    %get3A_267 = arith.constant 0 : index
    %get3A_268 = arith.constant 0 : index
    %get3A_269 = vector.load %arg5[%get3A_267, %get3A_268] : memref<1x384xf32, #tpu.memory_space<vmem>>, vector<1x384xf32>
    %add3A_270 = vector.broadcast %get3A_269 : vector<1x384xf32> to vector<1024x384xf32>
    %add3A_271 = arith.addf %dot_general3A_266, %add3A_270 : vector<1024x384xf32>
    %slice3A_272 = vector.extract_strided_slice %add3A_261 {offsets = [0, 0], sizes = [1024, 128], strides = [1, 1]} : vector<1024x384xf32> to vector<1024x128xf32>
    %slice3A_273 = vector.extract_strided_slice %add3A_271 {offsets = [0, 0], sizes = [1024, 128], strides = [1, 1]} : vector<1024x384xf32> to vector<1024x128xf32>
    %add3A_274 = arith.addf %slice3A_272, %slice3A_273 : vector<1024x128xf32>
    %mul3A_275 = arith.constant 5.000000e-01 : f32
    %mul3A_276 = vector.broadcast %mul3A_275 : f32 to vector<1024x128xf32>
    %mul3A_277 = arith.mulf %mul3A_276, %add3A_274 : vector<1024x128xf32>
    %tanh3A_278 = math.tanh %mul3A_277 : vector<1024x128xf32>
    %mul3A_279 = arith.constant 5.000000e-01 : f32
    %mul3A_280 = vector.broadcast %mul3A_279 : f32 to vector<1024x128xf32>
    %mul3A_281 = arith.mulf %mul3A_280, %tanh3A_278 : vector<1024x128xf32>
    %add3A_282 = arith.constant 5.000000e-01 : f32
    %add3A_283 = vector.broadcast %add3A_282 : f32 to vector<1024x128xf32>
    %add3A_284 = arith.addf %add3A_283, %mul3A_281 : vector<1024x128xf32>
    %slice3A_285 = vector.extract_strided_slice %add3A_261 {offsets = [0, 128], sizes = [1024, 128], strides = [1, 1]} : vector<1024x384xf32> to vector<1024x128xf32>
    %slice3A_286 = vector.extract_strided_slice %add3A_271 {offsets = [0, 128], sizes = [1024, 128], strides = [1, 1]} : vector<1024x384xf32> to vector<1024x128xf32>
    %add3A_287 = arith.addf %slice3A_285, %slice3A_286 : vector<1024x128xf32>
    %mul3A_288 = arith.constant 5.000000e-01 : f32
    %mul3A_289 = vector.broadcast %mul3A_288 : f32 to vector<1024x128xf32>
    %mul3A_290 = arith.mulf %mul3A_289, %add3A_287 : vector<1024x128xf32>
    %tanh3A_291 = math.tanh %mul3A_290 : vector<1024x128xf32>
    %mul3A_292 = arith.constant 5.000000e-01 : f32
    %mul3A_293 = vector.broadcast %mul3A_292 : f32 to vector<1024x128xf32>
    %mul3A_294 = arith.mulf %mul3A_293, %tanh3A_291 : vector<1024x128xf32>
    %add3A_295 = arith.constant 5.000000e-01 : f32
    %add3A_296 = vector.broadcast %add3A_295 : f32 to vector<1024x128xf32>
    %add3A_297 = arith.addf %add3A_296, %mul3A_294 : vector<1024x128xf32>
    %slice3A_298 = vector.extract_strided_slice %add3A_261 {offsets = [0, 256], sizes = [1024, 128], strides = [1, 1]} : vector<1024x384xf32> to vector<1024x128xf32>
    %slice3A_299 = vector.extract_strided_slice %add3A_271 {offsets = [0, 256], sizes = [1024, 128], strides = [1, 1]} : vector<1024x384xf32> to vector<1024x128xf32>
    %mul3A_300 = arith.mulf %add3A_284, %slice3A_299 : vector<1024x128xf32>
    %add3A_301 = arith.addf %slice3A_298, %mul3A_300 : vector<1024x128xf32>
    %tanh3A_302 = math.tanh %add3A_301 : vector<1024x128xf32>
    %sub3A_303 = arith.subf %add3A_242, %tanh3A_302 : vector<1024x128xf32>
    %mul3A_304 = arith.mulf %add3A_297, %sub3A_303 : vector<1024x128xf32>
    %add3A_305 = arith.addf %tanh3A_302, %mul3A_304 : vector<1024x128xf32>
    %swap3A_306 = arith.constant 0 : index
    %swap3A_307 = arith.constant 4 : index
    %swap3A_308 = arith.constant 0 : index
    %swap3A_309 = vector.load %arg6[%swap3A_306, %swap3A_307, %swap3A_308] : memref<1024x8x128xf32, #tpu.memory_space<vmem>>, vector<1024x1x128xf32>
    %swap3A_310 = vector.shape_cast %swap3A_309 : vector<1024x1x128xf32> to vector<1024x128xf32>
    %swap3A_311 = vector.shape_cast %add3A_305 : vector<1024x128xf32> to vector<1024x1x128xf32>
    tpu.vector_store %arg6[%swap3A_306, %swap3A_307, %swap3A_308], %swap3A_311 {strides = array<i32>} : memref<1024x8x128xf32, #tpu.memory_space<vmem>>, vector<1024x1x128xf32>,
    %get3A_312 = arith.constant 5120 : index
    %get3A_313 = arith.constant 0 : index
    %get3A_314 = vector.load %arg1[%get3A_312, %get3A_313] : memref<8192x64xf32, #tpu.memory_space<vmem>>, vector<1024x64xf32>
    %get3A_315 = arith.constant 0 : index
    %get3A_316 = arith.constant 0 : index
    %get3A_317 = vector.load %arg2[%get3A_315, %get3A_316] : memref<64x384xf32, #tpu.memory_space<vmem>>, vector<64x384xf32>
    %dot_general3A_318 = arith.constant dense<0.000000e+00> : vector<1024x384xf32>
    %dot_general3A_319 = tpu.matmul %get3A_314, %get3A_317, %dot_general3A_318 {dimension_numbers = #tpu.dot_dimension_numbers<[1], [0], [0], [1], [0, 0, 1, 1], [], []>, transpose_lhs_hint = false} : vector<1024x64xf32>, vector<64x384xf32>, vector<1024x384xf32> -> vector<1024x384xf32>
    %get3A_320 = arith.constant 0 : index
    %get3A_321 = arith.constant 0 : index
    %get3A_322 = vector.load %arg4[%get3A_320, %get3A_321] : memref<1x384xf32, #tpu.memory_space<vmem>>, vector<1x384xf32>
    %add3A_323 = vector.broadcast %get3A_322 : vector<1x384xf32> to vector<1024x384xf32>
    %add3A_324 = arith.addf %dot_general3A_319, %add3A_323 : vector<1024x384xf32>
    %get3A_325 = arith.constant 0 : index
    %get3A_326 = arith.constant 0 : index
    %get3A_327 = vector.load %arg3[%get3A_325, %get3A_326] : memref<128x384xf32, #tpu.memory_space<vmem>>, vector<128x384xf32>
    %dot_general3A_328 = arith.constant dense<0.000000e+00> : vector<1024x384xf32>
    %dot_general3A_329 = tpu.matmul %add3A_305, %get3A_327, %dot_general3A_328 {dimension_numbers = #tpu.dot_dimension_numbers<[1], [0], [0], [1], [0, 0, 1, 1], [], []>, transpose_lhs_hint = false} : vector<1024x128xf32>, vector<128x384xf32>, vector<1024x384xf32> -> vector<1024x384xf32>
    %get3A_330 = arith.constant 0 : index
    %get3A_331 = arith.constant 0 : index
    %get3A_332 = vector.load %arg5[%get3A_330, %get3A_331] : memref<1x384xf32, #tpu.memory_space<vmem>>, vector<1x384xf32>
    %add3A_333 = vector.broadcast %get3A_332 : vector<1x384xf32> to vector<1024x384xf32>
    %add3A_334 = arith.addf %dot_general3A_329, %add3A_333 : vector<1024x384xf32>
    %slice3A_335 = vector.extract_strided_slice %add3A_324 {offsets = [0, 0], sizes = [1024, 128], strides = [1, 1]} : vector<1024x384xf32> to vector<1024x128xf32>
    %slice3A_336 = vector.extract_strided_slice %add3A_334 {offsets = [0, 0], sizes = [1024, 128], strides = [1, 1]} : vector<1024x384xf32> to vector<1024x128xf32>
    %add3A_337 = arith.addf %slice3A_335, %slice3A_336 : vector<1024x128xf32>
    %mul3A_338 = arith.constant 5.000000e-01 : f32
    %mul3A_339 = vector.broadcast %mul3A_338 : f32 to vector<1024x128xf32>
    %mul3A_340 = arith.mulf %mul3A_339, %add3A_337 : vector<1024x128xf32>
    %tanh3A_341 = math.tanh %mul3A_340 : vector<1024x128xf32>
    %mul3A_342 = arith.constant 5.000000e-01 : f32
    %mul3A_343 = vector.broadcast %mul3A_342 : f32 to vector<1024x128xf32>
    %mul3A_344 = arith.mulf %mul3A_343, %tanh3A_341 : vector<1024x128xf32>
    %add3A_345 = arith.constant 5.000000e-01 : f32
    %add3A_346 = vector.broadcast %add3A_345 : f32 to vector<1024x128xf32>
    %add3A_347 = arith.addf %add3A_346, %mul3A_344 : vector<1024x128xf32>
    %slice3A_348 = vector.extract_strided_slice %add3A_324 {offsets = [0, 128], sizes = [1024, 128], strides = [1, 1]} : vector<1024x384xf32> to vector<1024x128xf32>
    %slice3A_349 = vector.extract_strided_slice %add3A_334 {offsets = [0, 128], sizes = [1024, 128], strides = [1, 1]} : vector<1024x384xf32> to vector<1024x128xf32>
    %add3A_350 = arith.addf %slice3A_348, %slice3A_349 : vector<1024x128xf32>
    %mul3A_351 = arith.constant 5.000000e-01 : f32
    %mul3A_352 = vector.broadcast %mul3A_351 : f32 to vector<1024x128xf32>
    %mul3A_353 = arith.mulf %mul3A_352, %add3A_350 : vector<1024x128xf32>
    %tanh3A_354 = math.tanh %mul3A_353 : vector<1024x128xf32>
    %mul3A_355 = arith.constant 5.000000e-01 : f32
    %mul3A_356 = vector.broadcast %mul3A_355 : f32 to vector<1024x128xf32>
    %mul3A_357 = arith.mulf %mul3A_356, %tanh3A_354 : vector<1024x128xf32>
    %add3A_358 = arith.constant 5.000000e-01 : f32
    %add3A_359 = vector.broadcast %add3A_358 : f32 to vector<1024x128xf32>
    %add3A_360 = arith.addf %add3A_359, %mul3A_357 : vector<1024x128xf32>
    %slice3A_361 = vector.extract_strided_slice %add3A_324 {offsets = [0, 256], sizes = [1024, 128], strides = [1, 1]} : vector<1024x384xf32> to vector<1024x128xf32>
    %slice3A_362 = vector.extract_strided_slice %add3A_334 {offsets = [0, 256], sizes = [1024, 128], strides = [1, 1]} : vector<1024x384xf32> to vector<1024x128xf32>
    %mul3A_363 = arith.mulf %add3A_347, %slice3A_362 : vector<1024x128xf32>
    %add3A_364 = arith.addf %slice3A_361, %mul3A_363 : vector<1024x128xf32>
    %tanh3A_365 = math.tanh %add3A_364 : vector<1024x128xf32>
    %sub3A_366 = arith.subf %add3A_305, %tanh3A_365 : vector<1024x128xf32>
    %mul3A_367 = arith.mulf %add3A_360, %sub3A_366 : vector<1024x128xf32>
    %add3A_368 = arith.addf %tanh3A_365, %mul3A_367 : vector<1024x128xf32>
    %swap3A_369 = arith.constant 0 : index
    %swap3A_370 = arith.constant 5 : index
    %swap3A_371 = arith.constant 0 : index
    %swap3A_372 = vector.load %arg6[%swap3A_369, %swap3A_370, %swap3A_371] : memref<1024x8x128xf32, #tpu.memory_space<vmem>>, vector<1024x1x128xf32>
    %swap3A_373 = vector.shape_cast %swap3A_372 : vector<1024x1x128xf32> to vector<1024x128xf32>
    %swap3A_374 = vector.shape_cast %add3A_368 : vector<1024x128xf32> to vector<1024x1x128xf32>
    tpu.vector_store %arg6[%swap3A_369, %swap3A_370, %swap3A_371], %swap3A_374 {strides = array<i32>} : memref<1024x8x128xf32, #tpu.memory_space<vmem>>, vector<1024x1x128xf32>,
    %get3A_375 = arith.constant 6144 : index
    %get3A_376 = arith.constant 0 : index
    %get3A_377 = vector.load %arg1[%get3A_375, %get3A_376] : memref<8192x64xf32, #tpu.memory_space<vmem>>, vector<1024x64xf32>
    %get3A_378 = arith.constant 0 : index
    %get3A_379 = arith.constant 0 : index
    %get3A_380 = vector.load %arg2[%get3A_378, %get3A_379] : memref<64x384xf32, #tpu.memory_space<vmem>>, vector<64x384xf32>
    %dot_general3A_381 = arith.constant dense<0.000000e+00> : vector<1024x384xf32>
    %dot_general3A_382 = tpu.matmul %get3A_377, %get3A_380, %dot_general3A_381 {dimension_numbers = #tpu.dot_dimension_numbers<[1], [0], [0], [1], [0, 0, 1, 1], [], []>, transpose_lhs_hint = false} : vector<1024x64xf32>, vector<64x384xf32>, vector<1024x384xf32> -> vector<1024x384xf32>
    %get3A_383 = arith.constant 0 : index
    %get3A_384 = arith.constant 0 : index
    %get3A_385 = vector.load %arg4[%get3A_383, %get3A_384] : memref<1x384xf32, #tpu.memory_space<vmem>>, vector<1x384xf32>
    %add3A_386 = vector.broadcast %get3A_385 : vector<1x384xf32> to vector<1024x384xf32>
    %add3A_387 = arith.addf %dot_general3A_382, %add3A_386 : vector<1024x384xf32>
    %get3A_388 = arith.constant 0 : index
    %get3A_389 = arith.constant 0 : index
    %get3A_390 = vector.load %arg3[%get3A_388, %get3A_389] : memref<128x384xf32, #tpu.memory_space<vmem>>, vector<128x384xf32>
    %dot_general3A_391 = arith.constant dense<0.000000e+00> : vector<1024x384xf32>
    %dot_general3A_392 = tpu.matmul %add3A_368, %get3A_390, %dot_general3A_391 {dimension_numbers = #tpu.dot_dimension_numbers<[1], [0], [0], [1], [0, 0, 1, 1], [], []>, transpose_lhs_hint = false} : vector<1024x128xf32>, vector<128x384xf32>, vector<1024x384xf32> -> vector<1024x384xf32>
    %get3A_393 = arith.constant 0 : index
    %get3A_394 = arith.constant 0 : index
    %get3A_395 = vector.load %arg5[%get3A_393, %get3A_394] : memref<1x384xf32, #tpu.memory_space<vmem>>, vector<1x384xf32>
    %add3A_396 = vector.broadcast %get3A_395 : vector<1x384xf32> to vector<1024x384xf32>
    %add3A_397 = arith.addf %dot_general3A_392, %add3A_396 : vector<1024x384xf32>
    %slice3A_398 = vector.extract_strided_slice %add3A_387 {offsets = [0, 0], sizes = [1024, 128], strides = [1, 1]} : vector<1024x384xf32> to vector<1024x128xf32>
    %slice3A_399 = vector.extract_strided_slice %add3A_397 {offsets = [0, 0], sizes = [1024, 128], strides = [1, 1]} : vector<1024x384xf32> to vector<1024x128xf32>
    %add3A_400 = arith.addf %slice3A_398, %slice3A_399 : vector<1024x128xf32>
    %mul3A_401 = arith.constant 5.000000e-01 : f32
    %mul3A_402 = vector.broadcast %mul3A_401 : f32 to vector<1024x128xf32>
    %mul3A_403 = arith.mulf %mul3A_402, %add3A_400 : vector<1024x128xf32>
    %tanh3A_404 = math.tanh %mul3A_403 : vector<1024x128xf32>
    %mul3A_405 = arith.constant 5.000000e-01 : f32
    %mul3A_406 = vector.broadcast %mul3A_405 : f32 to vector<1024x128xf32>
    %mul3A_407 = arith.mulf %mul3A_406, %tanh3A_404 : vector<1024x128xf32>
    %add3A_408 = arith.constant 5.000000e-01 : f32
    %add3A_409 = vector.broadcast %add3A_408 : f32 to vector<1024x128xf32>
    %add3A_410 = arith.addf %add3A_409, %mul3A_407 : vector<1024x128xf32>
    %slice3A_411 = vector.extract_strided_slice %add3A_387 {offsets = [0, 128], sizes = [1024, 128], strides = [1, 1]} : vector<1024x384xf32> to vector<1024x128xf32>
    %slice3A_412 = vector.extract_strided_slice %add3A_397 {offsets = [0, 128], sizes = [1024, 128], strides = [1, 1]} : vector<1024x384xf32> to vector<1024x128xf32>
    %add3A_413 = arith.addf %slice3A_411, %slice3A_412 : vector<1024x128xf32>
    %mul3A_414 = arith.constant 5.000000e-01 : f32
    %mul3A_415 = vector.broadcast %mul3A_414 : f32 to vector<1024x128xf32>
    %mul3A_416 = arith.mulf %mul3A_415, %add3A_413 : vector<1024x128xf32>
    %tanh3A_417 = math.tanh %mul3A_416 : vector<1024x128xf32>
    %mul3A_418 = arith.constant 5.000000e-01 : f32
    %mul3A_419 = vector.broadcast %mul3A_418 : f32 to vector<1024x128xf32>
    %mul3A_420 = arith.mulf %mul3A_419, %tanh3A_417 : vector<1024x128xf32>
    %add3A_421 = arith.constant 5.000000e-01 : f32
    %add3A_422 = vector.broadcast %add3A_421 : f32 to vector<1024x128xf32>
    %add3A_423 = arith.addf %add3A_422, %mul3A_420 : vector<1024x128xf32>
    %slice3A_424 = vector.extract_strided_slice %add3A_387 {offsets = [0, 256], sizes = [1024, 128], strides = [1, 1]} : vector<1024x384xf32> to vector<1024x128xf32>
    %slice3A_425 = vector.extract_strided_slice %add3A_397 {offsets = [0, 256], sizes = [1024, 128], strides = [1, 1]} : vector<1024x384xf32> to vector<1024x128xf32>
    %mul3A_426 = arith.mulf %add3A_410, %slice3A_425 : vector<1024x128xf32>
    %add3A_427 = arith.addf %slice3A_424, %mul3A_426 : vector<1024x128xf32>
    %tanh3A_428 = math.tanh %add3A_427 : vector<1024x128xf32>
    %sub3A_429 = arith.subf %add3A_368, %tanh3A_428 : vector<1024x128xf32>
    %mul3A_430 = arith.mulf %add3A_423, %sub3A_429 : vector<1024x128xf32>
    %add3A_431 = arith.addf %tanh3A_428, %mul3A_430 : vector<1024x128xf32>
    %swap3A_432 = arith.constant 0 : index
    %swap3A_433 = arith.constant 6 : index
    %swap3A_434 = arith.constant 0 : index
    %swap3A_435 = vector.load %arg6[%swap3A_432, %swap3A_433, %swap3A_434] : memref<1024x8x128xf32, #tpu.memory_space<vmem>>, vector<1024x1x128xf32>
    %swap3A_436 = vector.shape_cast %swap3A_435 : vector<1024x1x128xf32> to vector<1024x128xf32>
    %swap3A_437 = vector.shape_cast %add3A_431 : vector<1024x128xf32> to vector<1024x1x128xf32>
    tpu.vector_store %arg6[%swap3A_432, %swap3A_433, %swap3A_434], %swap3A_437 {strides = array<i32>} : memref<1024x8x128xf32, #tpu.memory_space<vmem>>, vector<1024x1x128xf32>,
    %get3A_438 = arith.constant 7168 : index
    %get3A_439 = arith.constant 0 : index
    %get3A_440 = vector.load %arg1[%get3A_438, %get3A_439] : memref<8192x64xf32, #tpu.memory_space<vmem>>, vector<1024x64xf32>
    %get3A_441 = arith.constant 0 : index
    %get3A_442 = arith.constant 0 : index
    %get3A_443 = vector.load %arg2[%get3A_441, %get3A_442] : memref<64x384xf32, #tpu.memory_space<vmem>>, vector<64x384xf32>
    %dot_general3A_444 = arith.constant dense<0.000000e+00> : vector<1024x384xf32>
    %dot_general3A_445 = tpu.matmul %get3A_440, %get3A_443, %dot_general3A_444 {dimension_numbers = #tpu.dot_dimension_numbers<[1], [0], [0], [1], [0, 0, 1, 1], [], []>, transpose_lhs_hint = false} : vector<1024x64xf32>, vector<64x384xf32>, vector<1024x384xf32> -> vector<1024x384xf32>
    %get3A_446 = arith.constant 0 : index
    %get3A_447 = arith.constant 0 : index
    %get3A_448 = vector.load %arg4[%get3A_446, %get3A_447] : memref<1x384xf32, #tpu.memory_space<vmem>>, vector<1x384xf32>
    %add3A_449 = vector.broadcast %get3A_448 : vector<1x384xf32> to vector<1024x384xf32>
    %add3A_450 = arith.addf %dot_general3A_445, %add3A_449 : vector<1024x384xf32>
    %get3A_451 = arith.constant 0 : index
    %get3A_452 = arith.constant 0 : index
    %get3A_453 = vector.load %arg3[%get3A_451, %get3A_452] : memref<128x384xf32, #tpu.memory_space<vmem>>, vector<128x384xf32>
    %dot_general3A_454 = arith.constant dense<0.000000e+00> : vector<1024x384xf32>
    %dot_general3A_455 = tpu.matmul %add3A_431, %get3A_453, %dot_general3A_454 {dimension_numbers = #tpu.dot_dimension_numbers<[1], [0], [0], [1], [0, 0, 1, 1], [], []>, transpose_lhs_hint = false} : vector<1024x128xf32>, vector<128x384xf32>, vector<1024x384xf32> -> vector<1024x384xf32>
    %get3A_456 = arith.constant 0 : index
    %get3A_457 = arith.constant 0 : index
    %get3A_458 = vector.load %arg5[%get3A_456, %get3A_457] : memref<1x384xf32, #tpu.memory_space<vmem>>, vector<1x384xf32>
    %add3A_459 = vector.broadcast %get3A_458 : vector<1x384xf32> to vector<1024x384xf32>
    %add3A_460 = arith.addf %dot_general3A_455, %add3A_459 : vector<1024x384xf32>
    %slice3A_461 = vector.extract_strided_slice %add3A_450 {offsets = [0, 0], sizes = [1024, 128], strides = [1, 1]} : vector<1024x384xf32> to vector<1024x128xf32>
    %slice3A_462 = vector.extract_strided_slice %add3A_460 {offsets = [0, 0], sizes = [1024, 128], strides = [1, 1]} : vector<1024x384xf32> to vector<1024x128xf32>
    %add3A_463 = arith.addf %slice3A_461, %slice3A_462 : vector<1024x128xf32>
    %mul3A_464 = arith.constant 5.000000e-01 : f32
    %mul3A_465 = vector.broadcast %mul3A_464 : f32 to vector<1024x128xf32>
    %mul3A_466 = arith.mulf %mul3A_465, %add3A_463 : vector<1024x128xf32>
    %tanh3A_467 = math.tanh %mul3A_466 : vector<1024x128xf32>
    %mul3A_468 = arith.constant 5.000000e-01 : f32
    %mul3A_469 = vector.broadcast %mul3A_468 : f32 to vector<1024x128xf32>
    %mul3A_470 = arith.mulf %mul3A_469, %tanh3A_467 : vector<1024x128xf32>
    %add3A_471 = arith.constant 5.000000e-01 : f32
    %add3A_472 = vector.broadcast %add3A_471 : f32 to vector<1024x128xf32>
    %add3A_473 = arith.addf %add3A_472, %mul3A_470 : vector<1024x128xf32>
    %slice3A_474 = vector.extract_strided_slice %add3A_450 {offsets = [0, 128], sizes = [1024, 128], strides = [1, 1]} : vector<1024x384xf32> to vector<1024x128xf32>
    %slice3A_475 = vector.extract_strided_slice %add3A_460 {offsets = [0, 128], sizes = [1024, 128], strides = [1, 1]} : vector<1024x384xf32> to vector<1024x128xf32>
    %add3A_476 = arith.addf %slice3A_474, %slice3A_475 : vector<1024x128xf32>
    %mul3A_477 = arith.constant 5.000000e-01 : f32
    %mul3A_478 = vector.broadcast %mul3A_477 : f32 to vector<1024x128xf32>
    %mul3A_479 = arith.mulf %mul3A_478, %add3A_476 : vector<1024x128xf32>
    %tanh3A_480 = math.tanh %mul3A_479 : vector<1024x128xf32>
    %mul3A_481 = arith.constant 5.000000e-01 : f32
    %mul3A_482 = vector.broadcast %mul3A_481 : f32 to vector<1024x128xf32>
    %mul3A_483 = arith.mulf %mul3A_482, %tanh3A_480 : vector<1024x128xf32>
    %add3A_484 = arith.constant 5.000000e-01 : f32
    %add3A_485 = vector.broadcast %add3A_484 : f32 to vector<1024x128xf32>
    %add3A_486 = arith.addf %add3A_485, %mul3A_483 : vector<1024x128xf32>
    %slice3A_487 = vector.extract_strided_slice %add3A_450 {offsets = [0, 256], sizes = [1024, 128], strides = [1, 1]} : vector<1024x384xf32> to vector<1024x128xf32>
    %slice3A_488 = vector.extract_strided_slice %add3A_460 {offsets = [0, 256], sizes = [1024, 128], strides = [1, 1]} : vector<1024x384xf32> to vector<1024x128xf32>
    %mul3A_489 = arith.mulf %add3A_473, %slice3A_488 : vector<1024x128xf32>
    %add3A_490 = arith.addf %slice3A_487, %mul3A_489 : vector<1024x128xf32>
    %tanh3A_491 = math.tanh %add3A_490 : vector<1024x128xf32>
    %sub3A_492 = arith.subf %add3A_431, %tanh3A_491 : vector<1024x128xf32>
    %mul3A_493 = arith.mulf %add3A_486, %sub3A_492 : vector<1024x128xf32>
    %add3A_494 = arith.addf %tanh3A_491, %mul3A_493 : vector<1024x128xf32>
    %swap3A_495 = arith.constant 0 : index
    %swap3A_496 = arith.constant 7 : index
    %swap3A_497 = arith.constant 0 : index
    %swap3A_498 = vector.load %arg6[%swap3A_495, %swap3A_496, %swap3A_497] : memref<1024x8x128xf32, #tpu.memory_space<vmem>>, vector<1024x1x128xf32>
    %swap3A_499 = vector.shape_cast %swap3A_498 : vector<1024x1x128xf32> to vector<1024x128xf32>
    %swap3A_500 = vector.shape_cast %add3A_494 : vector<1024x128xf32> to vector<1024x1x128xf32>
    tpu.vector_store %arg6[%swap3A_495, %swap3A_496, %swap3A_497], %swap3A_500 {strides = array<i32>} : memref<1024x8x128xf32, #tpu.memory_space<vmem>>, vector<1024x1x128xf32>,
    %swap3A_501 = arith.constant 0 : index
    %swap3A_502 = arith.constant 0 : index
    %swap3A_503 = vector.load %arg8[%swap3A_501, %swap3A_502] : memref<1024x128xf32, #tpu.memory_space<vmem>>, vector<1024x128xf32>
    tpu.vector_store %arg8[%swap3A_501, %swap3A_502], %add3A_494 {strides = array<i32>} : memref<1024x128xf32, #tpu.memory_space<vmem>>, vector<1024x128xf32>,
    %eq3A_504 = arith.constant 24 : i32
    %eq3A_505 = arith.cmpi eq, %arg0, %eq3A_504 : i32
    %convert_element_type3A_506 = arith.extui %eq3A_505 : i1 to i32
    %cond3A_507 = arith.constant 0 : i32
    %cond3A_508 = arith.cmpi ne, %convert_element_type3A_506, %cond3A_507 : i32
    scf.if %cond3A_508 {
      %swap3A_509 = arith.constant 0 : index
      %swap3A_510 = arith.constant 0 : index
      %swap3A_511 = arith.constant 0 : index
      %swap3A_512 = vector.load %arg7[%swap3A_509, %swap3A_510, %swap3A_511] : memref<1x1024x128xf32, #tpu.memory_space<vmem>>, vector<1x1024x128xf32>
      %swap3A_513 = vector.shape_cast %swap3A_512 : vector<1x1024x128xf32> to vector<1024x128xf32>
      %swap3A_514 = vector.shape_cast %add3A_494 : vector<1024x128xf32> to vector<1x1024x128xf32>
      tpu.vector_store %arg7[%swap3A_509, %swap3A_510, %swap3A_511], %swap3A_514 {strides = array<i32>} : memref<1x1024x128xf32, #tpu.memory_space<vmem>>, vector<1x1024x128xf32>,
    } else {
    }
    return
  }
  func.func @transform_0(%arg0: i32) -> (i32, i32) {
    %c0_i32 = arith.constant 0 : i32
    %c0_i32_0 = arith.constant 0 : i32
    return %arg0, %c0_i32 : i32, i32
  }
  func.func @transform_1(%arg0: i32) -> (i32, i32) {
    %c0_i32 = arith.constant 0 : i32
    %c0_i32_0 = arith.constant 0 : i32
    %c0_i32_1 = arith.constant 0 : i32
    return %c0_i32, %c0_i32_0 : i32, i32
  }
  func.func @transform_2(%arg0: i32) -> (i32, i32) {
    %c0_i32 = arith.constant 0 : i32
    %c0_i32_0 = arith.constant 0 : i32
    %c0_i32_1 = arith.constant 0 : i32
    return %c0_i32, %c0_i32_0 : i32, i32
  }
  func.func @transform_3(%arg0: i32) -> (i32, i32) {
    %c0_i32 = arith.constant 0 : i32
    %c0_i32_0 = arith.constant 0 : i32
    %c0_i32_1 = arith.constant 0 : i32
    return %c0_i32, %c0_i32_0 : i32, i32
  }
  func.func @transform_4(%arg0: i32) -> (i32, i32) {
    %c0_i32 = arith.constant 0 : i32
    %c0_i32_0 = arith.constant 0 : i32
    %c0_i32_1 = arith.constant 0 : i32
    return %c0_i32, %c0_i32_0 : i32, i32
  }
  func.func @transform_5(%arg0: i32) -> (i32, i32, i32) {
    %c0_i32 = arith.constant 0 : i32
    %c0_i32_0 = arith.constant 0 : i32
    %c0_i32_1 = arith.constant 0 : i32
    return %c0_i32, %arg0, %c0_i32_0 : i32, i32, i32
  }
  func.func @transform_6(%arg0: i32) -> (i32, i32, i32) {
    %c0_i32 = arith.constant 0 : i32
    %c0_i32_0 = arith.constant 0 : i32
    %c0_i32_1 = arith.constant 0 : i32
    %c0_i32_2 = arith.constant 0 : i32
    return %c0_i32, %c0_i32_0, %c0_i32_1 : i32, i32, i32
  }
}

</mosaic_0001>

<sc_bundles>
// kernel: kernel.4.cloned.1.call-start
scs
__scs_entry_jumppad:
0x0: {  	(pc) =	sbr.rel $0x88, $3  }
0x1: {  	(tag) =	ssettag $0x0;
	lr =	simm.s32 $0x1  }
0x2: {  	[smem:$0x3F9B] =	sst lr;
	_ =	strace $0xD0000000  }
0x3: {  	_ = 	snop  }
0x4: {  	_ = 	snop  }
0x5: {  	_ = 	snop  }
0x6: {  	_ = 	snop  }
0x7: {  	_ = 	snop  }
__scs_overlays_trampoline_lowered:
0x8: {  	[smem:$0x3FAA] =	sst s0  }
0x9: {  	[smem:$0x3FAB] =	sst s1  }
0xa: {  	[smem:$0x3FAC] =	sst s2  }
0xb: {  	[smem:$0x3FAD] =	sst s3  }
0xc: {  	[smem:$0x3FAE] =	sst s4  }
0xd: {  	[smem:$0x3FAF] =	sst s5  }
0xe: {  	[smem:$0x3FB0] =	sst s6  }
0xf: {  	[smem:$0x3FB1] =	sst s7  }
0x10: {  	[smem:$0x3FB2] =	sst s8  }
0x11: {  	[smem:$0x3FB3] =	sst s9;
	s0 =	simm.s32 @!p0 $0x0  }
0x12: {  	s1 =	sld [smem:$0x3F99];
	s0 =	simm.s32 @p0 $0x1  }
0x13: {  	[smem:$0x3FB4] =	sst s0;
	s0 =	simm.s32 @!p1 $0x0  }
0x14: {  	s2 =	sld [smem:$0x3F98];
	s0 =	simm.s32 @p1 $0x1  }
0x15: {  	[smem:$0x3FB5] =	sst s0;
	s0 =	simm.s32 @!p2 $0x0  }
0x16: {  	s3 =	sld [smem:$0x3FDB];
	s0 =	simm.s32 @p2 $0x1  }
0x17: {  	s4 =	simm.s32 $0x1BF5;
	[smem:$0x3FB7] =	sst s0  }
0x18: {  	s0 =	sld [smem:$0x3F9A];
	_ =	swait.ge [sflag:s4], $0x0  }
0x19: {  	s7 =	sld [smem:$0x3F9B]  }
0x1a: {  	s8 =	sadd.s32 $0xFFFFE003, lr  }
0x1b: {  	s9 =	sadd.s32 $0xFFFFFEF7, lr;
	s5 =	simm.s32 $0xFFFFFFFF;
	p2 =	slt.u32 s8, $0xFFFFF086  }
0x1c: {  	p1 =	slt.u32 s9, $0xF7A;
	s5 =	simm.s32 @!p2 $0x0  }
0x1d: {  	s5 =	simm.s32 @p1 $0x1;
	p0 =	seq.s32 s7, s2  }
0x1e: {  	s7 =	smul.u32 @!p0 $0xF7A, s2;
	p2 =	seq.s32 @!p0 s5, $0x0  }
0x1f: {  	s9 =	smul.u32 $0xF7A, s1;
	s8 =	simm.s32 @!p0 $0x1BF5;
	p2 =	por !p2, p0  }
0x20: {  	[sflag:s8] =	ssyncset.s32 @!p0 $0xFFFFF086;
	s6 =	sadd.s32 @!p0 s3, s7;
	s7 =	simm.s32 @!p0 $0x108  }
0x21: {  	s3 =	sadd.s32 s3, s9;
	s6 =	sadd.s32 @!p0 $0x88, s6;
	s7 =	simm.s32 @p2 $0x1082  }
0x22: {  	[simem:s7], [sflag:s8] =	dma.local @!p0 [hbm:s6], $0xF7A  }
0x23: {  	s9 =	sor.u32 $0xD0000000, s2;
	s6 =	simm.s32 $0x108;
	_ =	swait.ge @!p0 [sflag:s8], $0x0  }
0x24: {  	s3 =	sadd.s32 $0x88, s3;
	s6 =	simm.s32 @!p1 $0x1082;
	[sflag:s4] =	ssyncset.s32 $0xFFFFF086  }
0x25: {  	[simem:s6], [sflag:s4] =	dma.local [hbm:s3], $0xF7A  }
0x26: {  	[smem:$0x3F9B] =	sst s1;
	(tag) =	ssettag s2;
	_ =	strace s9  }
0x27: {  	s1 =	sld [smem:$0x3FAB]  }
0x28: {  	s2 =	sld [smem:$0x3FAC]  }
0x29: {  	s4 =	sld [smem:$0x3FAE]  }
0x2a: {  	p0 =	seq.s32 s5, $0x0;
	s5 =	sld [smem:$0x3FAF]  }
0x2b: {  	s6 =	sld [smem:$0x3FB0]  }
0x2c: {  	s7 =	sld [smem:$0x3FB1]  }
0x2d: {  	s3 =	simm.s32 $0x108;
	s8 =	sld [smem:$0x3FB2]  }
0x2e: {  	s3 =	simm.s32 @!p0 $0x1082;
	s9 =	sld [smem:$0x3FB3]  }
0x2f: {  	lr =	sadd.s32 s0, s3;
	s0 =	sld [smem:$0x3FAA]  }
0x30: {  	s3 =	sld [smem:$0x3FAD]  }
0x31: {  	[smem:$0x3FB6] =	sst s10  }
0x32: {  	s10 =	sld [smem:$0x3FB4];
	_ =	sdelay $0x3  }
0x33: {  	p0 =	seq.s32 s10, $0x1;
	s10 =	sld [smem:$0x3FB6];
	_ =	sdelay $0x3  }
0x34: {  	[smem:$0x3FB6] =	sst s10  }
0x35: {  	s10 =	sld [smem:$0x3FB5];
	_ =	sdelay $0x3  }
0x36: {  	p1 =	seq.s32 s10, $0x1;
	s10 =	sld [smem:$0x3FB6];
	_ =	sdelay $0x3  }
0x37: {  	[smem:$0x3FB6] =	sst s10  }
0x38: {  	s10 =	sld [smem:$0x3FB7]  }
0x39: {  	_ = 	snop;
	(pc) =	sbr.ind lr, $3  }
0x3a: {  	_ = 	snop  }
0x3b: {  	_ = 	snop  }
0x3c: {  	p2 =	seq.s32 s10, $0x1;
	s10 =	sld [smem:$0x3FB6]  }
0x3d: {  	_ =	shalt  }
0x3e: {  	_ =	shalt  }
0x3f: {  	_ =	shalt  }
0x40: {  	_ =	shalt  }
0x41: {  	_ =	shalt  }
0x42: {  	_ =	shalt  }
0x43: {  	_ =	shalt  }
0x44: {  	_ =	shalt  }
0x45: {  	_ =	shalt  }
0x46: {  	_ =	shalt  }
0x47: {  	_ =	shalt  }
0x48: {  	_ =	shalt  }
0x49: {  	_ =	shalt  }
0x4a: {  	_ =	shalt  }
0x4b: {  	_ =	shalt  }
0x4c: {  	_ =	shalt  }
0x4d: {  	_ =	shalt  }
0x4e: {  	_ =	shalt  }
0x4f: {  	_ =	shalt  }
0x50: {  	_ =	shalt  }
0x51: {  	_ =	shalt  }
0x52: {  	_ =	shalt  }
0x53: {  	_ =	shalt  }
0x54: {  	_ =	shalt  }
0x55: {  	_ =	shalt  }
0x56: {  	_ =	shalt  }
0x57: {  	_ =	shalt  }
0x58: {  	_ =	shalt  }
0x59: {  	_ =	shalt  }
0x5a: {  	_ =	shalt  }
0x5b: {  	_ =	shalt  }
0x5c: {  	_ =	shalt  }
0x5d: {  	_ =	shalt  }
0x5e: {  	_ =	shalt  }
0x5f: {  	_ =	shalt  }
0x60: {  	_ =	shalt  }
0x61: {  	_ =	shalt  }
0x62: {  	_ =	shalt  }
0x63: {  	_ =	shalt  }
0x64: {  	_ =	shalt  }
0x65: {  	_ =	shalt  }
0x66: {  	_ =	shalt  }
0x67: {  	_ =	shalt  }
0x68: {  	_ =	shalt  }
0x69: {  	_ =	shalt  }
0x6a: {  	_ =	shalt  }
0x6b: {  	_ =	shalt  }
0x6c: {  	_ =	shalt  }
0x6d: {  	_ =	shalt  }
0x6e: {  	_ =	shalt  }
0x6f: {  	_ =	shalt  }
0x70: {  	_ =	shalt  }
0x71: {  	_ =	shalt  }
0x72: {  	_ =	shalt  }
0x73: {  	_ =	shalt  }
0x74: {  	_ =	shalt  }
0x75: {  	_ =	shalt  }
0x76: {  	_ =	shalt  }
0x77: {  	_ =	shalt  }
0x78: {  	_ =	shalt  }
0x79: {  	_ =	shalt  }
0x7a: {  	_ =	shalt  }
0x7b: {  	_ =	shalt  }
0x7c: {  	_ =	shalt  }
0x7d: {  	_ =	shalt  }
0x7e: {  	_ =	shalt  }
0x7f: {  	_ =	shalt  }
0x80: {  	_ =	shalt  }
0x81: {  	_ =	shalt  }
0x82: {  	_ =	shalt  }
0x83: {  	_ =	shalt  }
0x84: {  	_ =	shalt  }
0x85: {  	_ =	shalt  }
0x86: {  	_ =	shalt  }
0x87: {  	_ =	shalt  }
.Lfunc_end0:
.L_simem_size_0:
called_computation_lowered:
.L_overlay_start_0:
0x88: {  	s2 =	sld [smem:$0x3FD9]  }
0x89: {  	s3 =	sld [smem:$0x3FFE];
	_ =	sdelay $0x1  }
0x8a: {  	s1 =	srdreg.scid  }
0x8b: {  	s0 =	sand.u32 $0x1, s1  }
0x8c: {  	s14 =	sshll.u32 s0, $0xA;
	s2 =	sadd.s32 s3, s2  }
0x8d: {  	s2 =	sadd.s32 s2, s14  }
0x8e: {  	[smem:$0x3FC2] =	sst s2  }
0x8f: {  	_ = 	snop  }
0x90: {  	s2 =	sld [smem:$0x3FD0];
	_ =	sdelay $0x2  }
0x91: {  	s15 =	simm.s32 $0xA;
	s4 =	simm.s32 $0x10  }
0x92: {  	[smem:s4], [sflag:s15] =	dma.local [hbm:s2], $0x1  }
0x93: {  	_ =	swait.eq [sflag:s15], $0x1  }
0x94: {  	[sflag:s15] =	ssyncset.done $0x0  }
0x95: {  	[sflag:s15] =	ssyncadd.s32 $0xFFFFFFFF  }
0x96: {  	s16 =	sld [smem:$0x10];
	(tm) =	ssettm $0x1  }
0x97: {  	s17 =	sld [smem:$0x3FFB];
	_ =	sdelay $0x3  }
0x98: {  	_ =	strace s17  }
0x99: {  	s3 =	sld [smem:$0x3FFC];
	_ =	sdelay $0x3  }
0x9a: {  	_ =	strace s3  }
0x9b: {  	s3 =	sld [smem:$0x3FFD];
	_ =	sdelay $0x3  }
0x9c: {  	_ =	strace s3  }
0x9d: {  	_ =	strace $0x8FFFFFFF  }
0x9e: {  	s18 =	sld [smem:$0x3FDB];
	_ =	sdelay $0x1  }
0x9f: {  	s19 =	simm.s32 $_scs_section_size  }
0xa0: {  	s5 =	simm.s32 $_size__tile_overlayer_lowered;
	s6 =	simm.s32 $_tile_overlayer_lowered  }
0xa1: {  	s22 =	simm.s32 $0x1BFF;
	s21 =	sshll.u32 s6, $0x1;
	s3 =	sadd.s32 s19, s18  }
0xa2: {  	s7 =	simm.s32 $0x0;
	s20 =	sshll.u32 s5, $0x1;
	s5 =	sadd.s32 s21, s3  }
0xa3: {  	[timem:s7], [sflag:s22] =	dma.local [hbm:s5], s20  }
0xa4: {  	_ =	swait.ge [sflag:s22], s20  }
0xa5: {  	s4 =	ssub.s32 $0x0, s20;
	[sflag:s22] =	ssyncset.done $0x0  }
0xa6: {  	[sflag:s22] =	ssyncadd.s32 s4;
	_ =	sdelay $0x1  }
0xa7: {  	s23 =	simm.s32 $0x1B8B  }
0xa8: {  	_ =	swait.ge [sflag:s23], $0x1  }
0xa9: {  	[sflag:s23] =	ssyncset.done $0x0  }
0xaa: {  	s25 =	simm.s32 $0x1B8E;
	s24 =	sld [smem:$0x3FFE];
	[sflag:s23] =	ssyncadd.s32 $0xFFFFFFFF  }
0xab: {  	s26 =	simm.s32 $execute0_lowered;
	[smem:$0x3FD2] =	sst s25  }
0xac: {  	s5 =	sshll.u32 s26, $0x1;
	_ =	strace $0x80000046;
	[dreg:$0x1] =	wrdreg $0xFFFFFFFF  }
0xad: {  	s28 =	simm.s32 $_size_execute0_lowered;
	s3 =	sadd.s32 s3, s5;
	[dreg:$0x0] =	wrdreg $0x0  }
0xae: {  	s5 =	sshll.u32 s28, $0x1;
	[dreg:$0x2] =	wrdreg s3  }
0xaf: {  	[dreg:$0x3] =	wrdreg s5  }
0xb0: {  	[dreg:$0x4] =	wrdreg $0xC0  }
0xb1: {  	_ =	task [dreg:s7], $0x5FFFF  }
0xb2: {  	[dreg:$0x1] =	wrdreg $0xFFFFFFFF  }
0xb3: {  	[dreg:$0x0] =	wrdreg $0x60  }
0xb4: {  	[dreg:$0x2] =	wrdreg s24  }
0xb5: {  	[dreg:$0x3] =	wrdreg s16  }
0xb6: {  	[dreg:$0x4] =	wrdreg $0x9  }
0xb7: {  	_ =	task.clear_ibuf [dreg:s7], $0x5FFFF;
	_ =	strace $0x90000046  }
0xb8: {  	s29 =	simm.s32 $0x9;
	_ =	strace $0x80000048  }
0xb9: {  	_ =	swait.ge [sflag:s29], $0x1  }
0xba: {  	[sflag:s29] =	ssyncadd.s32 $0xFFFFFFFF  }
0xbb: {  	_ =	strace $0x90000048  }
0xbc: {  	_ =	sfence  }
0xbd: {  	s30 =	sld [smem:$0x0];
	_ =	sdelay $0x2  }
0xbe: {  	s31 =	sshll.u32 s1, $0xD;
	s1 =	sshrl.u32 s1, $0x2  }
0xbf: {  	s3 =	sand.u32 $0x4000, s31;
	s1 =	sadd.s32 s1, s30  }
0xc0: {  	s0 =	sor.u32 s3, s0;
	s1 =	sshll.u32 s1, $0x11  }
0xc1: {  	s0 =	sor.u32 s1, s0  }
0xc2: {  	s0 =	sadd.s32 $0x8F2B, s0  }
0xc3: {  	[sflag:s0] =	ssyncadd.remote.s32 $0x1  }
0xc4: {  	_ =	sfence.sel $0xFFFF  }
0xc5: {  	[dreg:$0x0] =	wrdreg $0xFFFFFFFF;
	(pc) =	sbr.abs _section_cstart, $3  }
0xc6: {  	[dreg:$0x1] =	wrdreg $0xFFFFFFFF  }
0xc7: {  	_ =	task.clear_ibuf [dreg:s7], $0x2FFFF;
	_ =	strace $0x9FFFFFFF  }
0xc8: {  	(tm) =	ssettm $0x7FFFFFFF  }
0xc9: {  	_ =	shalt  }
tec
execute0_lowered:
.L_overlay_start_1:
0x0: {  	(tag) =	ssettag $0x1  }
0x1: {  	s0 =	rddreg [dreg:$0x0]  }
0x2: {  	s1 =	rddreg [dreg:$0x1];
	s2 =	simm.s32 $0x0  }
0x3: {  	s7 =	stileid.u32;
	s3 =	srdreg.scid;
	s10 =	simm.s32 $0x2500  }
0x4: {  	s11 =	simm.s32 $0x100;
	s12 =	simm.s32 $0x4500;
	s13 =	simm.s32 $0x180  }
0x5: {  	s14 =	simm.s32 $0x6500;
	s15 =	simm.s32 $0x200;
	s16 =	simm.s32 $0x8500  }
0x6: {  	s17 =	simm.s32 $0x280;
	s18 =	simm.s32 $0xA500;
	s19 =	simm.s32 $0x300  }
0x7: {  	s20 =	simm.s32 $0xC500;
	s21 =	simm.s32 $0x380;
	s22 =	simm.s32 $0xE500  }
0x8: {  	s23 =	simm.s32 $0x400;
	s24 =	simm.s32 $0x10500;
	s25 =	simm.s32 $0x480  }
0x9: {  	s26 =	simm.s32 $0x12500;
	s28 =	simm.s32 $0x1;
	s4 =	smul.u32 $0x640, s7  }
0xa: {  	s29 =	simm.s32 $0x0;
	s5 =	sand.u32 $0x1, s3;
	s7 =	smul.u32 $0x19000, s7  }
0xb: {  	[smem:$0x7FF] =	sst s2;
	s3 =	sadd.s32 $0xF43200, s0;
	s9 =	smul.u32 $0x320, s5  }
0xc: {  	_ =	strace $0x80000047;
	s6 =	ssub.s32 $0x2, s5;
	s5 =	smul.u32 $0xC800, s5  }
0xd: {  	s8 =	sshrl.u32 s6, $0x1;
	s0 =	sadd.s32 s4, s0;
	s1 =	sadd.s32 s7, s1  }
0xe: {  	s7 =	simm.s32 $0x2;
	s31 =	ssub.s32 s6, s8;
	s0 =	sadd.s32 s9, s0  }
0xf: {  	s5 =	sadd.s32 s5, s1;
	s8 =	simm.s32 $0x80;
	s4 =	smax.u32 s31, $0x1  }
0x10: {  	s9 =	simm.s32 $0x500;
	s6 =	sadd.s32 $0xE00, s0;
	[dreg:$0x3] =	wrdreg s4  }
.LBB2_1:
0x11: {  	s0 =	sadd.s32 $0x0, s6  }
0x12: {  	[tilespmem:s2], [sflag:$0x2] =	stream.linear.gather [hbm4b:s0+s2], $0x500, $0x38;
	[tilespmem:$0x14500] =	vst v63  }
0x13: {  	_ =	swait.ge [sflag:s7], $0x500  }
0x14: {  	[sflag:s7] =	ssyncset.done $0x0  }
0x15: {  	[sflag:s7] =	ssyncadd.s32 $0xFFFFFB00  }
0x16: {  	[tilespmem:s9], [sflag:$0x1] =	stream.indirect.gather [hbm4b:s3+s8], $0x40, s2, s8, $0xb8;
	[tilespmem:$0x14500] =	vst v63  }
0x17: {  	_ = 	snop  }
0x18: {  	[tilespmem:s10], [sflag:$0x1] =	stream.indirect.gather [hbm4b:s3+s8], $0x40, s8, s8, $0xb8;
	[tilespmem:$0x14500] =	vst v63  }
0x19: {  	_ = 	snop  }
0x1a: {  	[tilespmem:s12], [sflag:$0x1] =	stream.indirect.gather [hbm4b:s3+s8], $0x40, s11, s8, $0xb8;
	[tilespmem:$0x14500] =	vst v63  }
0x1b: {  	_ = 	snop  }
0x1c: {  	[tilespmem:s14], [sflag:$0x1] =	stream.indirect.gather [hbm4b:s3+s8], $0x40, s13, s8, $0xb8;
	[tilespmem:$0x14500] =	vst v63  }
0x1d: {  	_ = 	snop  }
0x1e: {  	[tilespmem:s16], [sflag:$0x1] =	stream.indirect.gather [hbm4b:s3+s8], $0x40, s15, s8, $0xb8;
	[tilespmem:$0x14500] =	vst v63  }
0x1f: {  	_ = 	snop  }
0x20: {  	[tilespmem:s18], [sflag:$0x1] =	stream.indirect.gather [hbm4b:s3+s8], $0x40, s17, s8, $0xb8;
	[tilespmem:$0x14500] =	vst v63  }
0x21: {  	_ = 	snop  }
0x22: {  	[tilespmem:s20], [sflag:$0x1] =	stream.indirect.gather [hbm4b:s3+s8], $0x40, s19, s8, $0xb8;
	[tilespmem:$0x14500] =	vst v63  }
0x23: {  	_ = 	snop  }
0x24: {  	[tilespmem:s22], [sflag:$0x1] =	stream.indirect.gather [hbm4b:s3+s8], $0x40, s21, s8, $0xb8;
	[tilespmem:$0x14500] =	vst v63  }
0x25: {  	_ = 	snop  }
0x26: {  	[tilespmem:s24], [sflag:$0x1] =	stream.indirect.gather [hbm4b:s3+s8], $0x40, s23, s8, $0xb8;
	[tilespmem:$0x14500] =	vst v63  }
0x27: {  	_ = 	snop  }
0x28: {  	[tilespmem:s26], [sflag:$0x1] =	stream.indirect.gather [hbm4b:s3+s8], $0x40, s25, s8, $0xb8;
	[tilespmem:$0x14500] =	vst v63  }
0x29: {  	_ =	swait.ge [sflag:s28], $0x2000  }
0x2a: {  	[sflag:s28] =	ssyncset.done $0x0  }
0x2b: {  	[sflag:s28] =	ssyncadd.s32 $0xFFFFE000  }
0x2c: {  	_ =	swait.ge [sflag:s28], $0x2000  }
0x2d: {  	[sflag:s28] =	ssyncset.done $0x0  }
0x2e: {  	[sflag:s28] =	ssyncadd.s32 $0xFFFFE000  }
0x2f: {  	_ =	swait.ge [sflag:s28], $0x2000  }
0x30: {  	[sflag:s28] =	ssyncset.done $0x0  }
0x31: {  	[sflag:s28] =	ssyncadd.s32 $0xFFFFE000  }
0x32: {  	_ =	swait.ge [sflag:s28], $0x2000  }
0x33: {  	[sflag:s28] =	ssyncset.done $0x0  }
0x34: {  	[sflag:s28] =	ssyncadd.s32 $0xFFFFE000  }
0x35: {  	_ =	swait.ge [sflag:s28], $0x2000  }
0x36: {  	[sflag:s28] =	ssyncset.done $0x0  }
0x37: {  	[sflag:s28] =	ssyncadd.s32 $0xFFFFE000  }
0x38: {  	_ =	swait.ge [sflag:s28], $0x2000  }
0x39: {  	[sflag:s28] =	ssyncset.done $0x0  }
0x3a: {  	[sflag:s28] =	ssyncadd.s32 $0xFFFFE000  }
0x3b: {  	_ =	swait.ge [sflag:s28], $0x2000  }
0x3c: {  	[sflag:s28] =	ssyncset.done $0x0  }
0x3d: {  	[sflag:s28] =	ssyncadd.s32 $0xFFFFE000  }
0x3e: {  	_ =	swait.ge [sflag:s28], $0x2000  }
0x3f: {  	[sflag:s28] =	ssyncset.done $0x0  }
0x40: {  	[sflag:s28] =	ssyncadd.s32 $0xFFFFE000  }
0x41: {  	_ =	swait.ge [sflag:s28], $0x2000  }
0x42: {  	[sflag:s28] =	ssyncset.done $0x0  }
0x43: {  	[sflag:s28] =	ssyncadd.s32 $0xFFFFE000  }
0x44: {  	_ =	swait.ge [sflag:s28], $0x2000  }
0x45: {  	[sflag:s28] =	ssyncset.done $0x0  }
0x46: {  	[sflag:s28] =	ssyncadd.s32 $0xFFFFE000  }
0x47: {  	[hbm4b:s5+s2] =	stream.linear.scatter [tilespmem:s9], [sflag:$0x2], $0x14000, $0x38;
	[tilespmem:$0x14500] =	vst v63  }
0x48: {  	s31 =	simm.s32 $0xA0;
	_ =	swait.ge [sflag:s7], $0x14000  }
0x49: {  	s30 =	sadd.s32 $0x2800, s5;
	s0 =	simm.s32 $0x140;
	[sflag:s7] =	ssyncset.done $0x0  }
.LBB2_2:
0x4a: {  	s4 =	sadd.s32 s31, s6  }
0x4b: {  	[sflag:s7] =	ssyncadd.s32 $0xFFFEC000;
	s31 =	smov.u32 s0;
	s1 =	sadd.s32 $0xA0, s0  }
0x4c: {  	[tilespmem:s2], [sflag:$0x2] =	stream.linear.gather [hbm4b:s4+s2], $0x500, $0x38;
	[tilespmem:$0x14500] =	vst v63  }
0x4d: {  	p0 =	sne.s32 s0, $0x280;
	_ =	swait.ge [sflag:s7], $0x500  }
0x4e: {  	[sflag:s7] =	ssyncset.done $0x0  }
0x4f: {  	[sflag:s7] =	ssyncadd.s32 $0xFFFFFB00  }
0x50: {  	[tilespmem:s9], [sflag:$0x1] =	stream.indirect.gather [hbm4b:s3+s8], $0x40, s2, s8, $0xb8;
	[tilespmem:$0x14500] =	vst v63  }
0x51: {  	_ = 	snop  }
0x52: {  	[tilespmem:s10], [sflag:$0x1] =	stream.indirect.gather [hbm4b:s3+s8], $0x40, s8, s8, $0xb8;
	[tilespmem:$0x14500] =	vst v63  }
0x53: {  	_ = 	snop  }
0x54: {  	[tilespmem:s12], [sflag:$0x1] =	stream.indirect.gather [hbm4b:s3+s8], $0x40, s11, s8, $0xb8;
	[tilespmem:$0x14500] =	vst v63  }
0x55: {  	_ = 	snop  }
0x56: {  	[tilespmem:s14], [sflag:$0x1] =	stream.indirect.gather [hbm4b:s3+s8], $0x40, s13, s8, $0xb8;
	[tilespmem:$0x14500] =	vst v63  }
0x57: {  	_ = 	snop  }
0x58: {  	[tilespmem:s16], [sflag:$0x1] =	stream.indirect.gather [hbm4b:s3+s8], $0x40, s15, s8, $0xb8;
	[tilespmem:$0x14500] =	vst v63  }
0x59: {  	_ = 	snop  }
0x5a: {  	[tilespmem:s18], [sflag:$0x1] =	stream.indirect.gather [hbm4b:s3+s8], $0x40, s17, s8, $0xb8;
	[tilespmem:$0x14500] =	vst v63  }
0x5b: {  	_ = 	snop  }
0x5c: {  	[tilespmem:s20], [sflag:$0x1] =	stream.indirect.gather [hbm4b:s3+s8], $0x40, s19, s8, $0xb8;
	[tilespmem:$0x14500] =	vst v63  }
0x5d: {  	_ = 	snop  }
0x5e: {  	[tilespmem:s22], [sflag:$0x1] =	stream.indirect.gather [hbm4b:s3+s8], $0x40, s21, s8, $0xb8;
	[tilespmem:$0x14500] =	vst v63  }
0x5f: {  	_ = 	snop  }
0x60: {  	[tilespmem:s24], [sflag:$0x1] =	stream.indirect.gather [hbm4b:s3+s8], $0x40, s23, s8, $0xb8;
	[tilespmem:$0x14500] =	vst v63  }
0x61: {  	_ = 	snop  }
0x62: {  	[tilespmem:s26], [sflag:$0x1] =	stream.indirect.gather [hbm4b:s3+s8], $0x40, s25, s8, $0xb8;
	[tilespmem:$0x14500] =	vst v63  }
0x63: {  	_ =	swait.ge [sflag:s28], $0x2000  }
0x64: {  	[sflag:s28] =	ssyncset.done $0x0  }
0x65: {  	[sflag:s28] =	ssyncadd.s32 $0xFFFFE000  }
0x66: {  	_ =	swait.ge [sflag:s28], $0x2000  }
0x67: {  	[sflag:s28] =	ssyncset.done $0x0  }
0x68: {  	[sflag:s28] =	ssyncadd.s32 $0xFFFFE000  }
0x69: {  	_ =	swait.ge [sflag:s28], $0x2000  }
0x6a: {  	[sflag:s28] =	ssyncset.done $0x0  }
0x6b: {  	[sflag:s28] =	ssyncadd.s32 $0xFFFFE000  }
0x6c: {  	_ =	swait.ge [sflag:s28], $0x2000  }
0x6d: {  	[sflag:s28] =	ssyncset.done $0x0  }
0x6e: {  	[sflag:s28] =	ssyncadd.s32 $0xFFFFE000  }
0x6f: {  	_ =	swait.ge [sflag:s28], $0x2000  }
0x70: {  	[sflag:s28] =	ssyncset.done $0x0  }
0x71: {  	[sflag:s28] =	ssyncadd.s32 $0xFFFFE000  }
0x72: {  	_ =	swait.ge [sflag:s28], $0x2000  }
0x73: {  	[sflag:s28] =	ssyncset.done $0x0  }
0x74: {  	[sflag:s28] =	ssyncadd.s32 $0xFFFFE000  }
0x75: {  	_ =	swait.ge [sflag:s28], $0x2000  }
0x76: {  	[sflag:s28] =	ssyncset.done $0x0  }
0x77: {  	[sflag:s28] =	ssyncadd.s32 $0xFFFFE000  }
0x78: {  	_ =	swait.ge [sflag:s28], $0x2000  }
0x79: {  	[sflag:s28] =	ssyncset.done $0x0  }
0x7a: {  	[sflag:s28] =	ssyncadd.s32 $0xFFFFE000  }
0x7b: {  	_ =	swait.ge [sflag:s28], $0x2000  }
0x7c: {  	[sflag:s28] =	ssyncset.done $0x0  }
0x7d: {  	[sflag:s28] =	ssyncadd.s32 $0xFFFFE000  }
0x7e: {  	_ =	swait.ge [sflag:s28], $0x2000  }
.Ltmp0:
0x7f: {  	[sflag:s28] =	ssyncset.done $0x0;
	(pc) =	sbr.rel @p0 .LBB2_2-.Ltmp0, $4  }
0x80: {  	[sflag:s28] =	ssyncadd.s32 $0xFFFFE000  }
0x81: {  	[hbm4b:s30+s2] =	stream.linear.scatter [tilespmem:s9], [sflag:$0x2], $0x14000, $0x38;
	[tilespmem:$0x14500] =	vst v63  }
0x82: {  	_ =	swait.ge [sflag:s7], $0x14000  }
0x83: {  	s0 =	smov.u32 s1;
	s30 =	sadd.s32 $0x2800, s30;
	[sflag:s7] =	ssyncset.done $0x0  }
0x84: {  	s0 =	sadd.s32 s31, s6;
	[sflag:s7] =	ssyncadd.s32 $0xFFFEC000  }
0x85: {  	[tilespmem:s2], [sflag:$0x2] =	stream.linear.gather [hbm4b:s0+s2], $0x500, $0x38;
	[tilespmem:$0x14500] =	vst v63  }
0x86: {  	_ =	swait.ge [sflag:s7], $0x500  }
0x87: {  	[sflag:s7] =	ssyncset.done $0x0  }
0x88: {  	[sflag:s7] =	ssyncadd.s32 $0xFFFFFB00  }
0x89: {  	[tilespmem:s9], [sflag:$0x1] =	stream.indirect.gather [hbm4b:s3+s8], $0x40, s2, s8, $0xb8;
	[tilespmem:$0x14500] =	vst v63  }
0x8a: {  	_ = 	snop  }
0x8b: {  	[tilespmem:s10], [sflag:$0x1] =	stream.indirect.gather [hbm4b:s3+s8], $0x40, s8, s8, $0xb8;
	[tilespmem:$0x14500] =	vst v63  }
0x8c: {  	_ = 	snop  }
0x8d: {  	[tilespmem:s12], [sflag:$0x1] =	stream.indirect.gather [hbm4b:s3+s8], $0x40, s11, s8, $0xb8;
	[tilespmem:$0x14500] =	vst v63  }
0x8e: {  	_ = 	snop  }
0x8f: {  	[tilespmem:s14], [sflag:$0x1] =	stream.indirect.gather [hbm4b:s3+s8], $0x40, s13, s8, $0xb8;
	[tilespmem:$0x14500] =	vst v63  }
0x90: {  	_ = 	snop  }
0x91: {  	[tilespmem:s16], [sflag:$0x1] =	stream.indirect.gather [hbm4b:s3+s8], $0x40, s15, s8, $0xb8;
	[tilespmem:$0x14500] =	vst v63  }
0x92: {  	_ = 	snop  }
0x93: {  	[tilespmem:s18], [sflag:$0x1] =	stream.indirect.gather [hbm4b:s3+s8], $0x40, s17, s8, $0xb8;
	[tilespmem:$0x14500] =	vst v63  }
0x94: {  	_ = 	snop  }
0x95: {  	[tilespmem:s20], [sflag:$0x1] =	stream.indirect.gather [hbm4b:s3+s8], $0x40, s19, s8, $0xb8;
	[tilespmem:$0x14500] =	vst v63  }
0x96: {  	_ = 	snop  }
0x97: {  	[tilespmem:s22], [sflag:$0x1] =	stream.indirect.gather [hbm4b:s3+s8], $0x40, s21, s8, $0xb8;
	[tilespmem:$0x14500] =	vst v63  }
0x98: {  	_ = 	snop  }
0x99: {  	[tilespmem:s24], [sflag:$0x1] =	stream.indirect.gather [hbm4b:s3+s8], $0x40, s23, s8, $0xb8;
	[tilespmem:$0x14500] =	vst v63  }
0x9a: {  	_ = 	snop  }
0x9b: {  	[tilespmem:s26], [sflag:$0x1] =	stream.indirect.gather [hbm4b:s3+s8], $0x40, s25, s8, $0xb8;
	[tilespmem:$0x14500] =	vst v63  }
0x9c: {  	_ =	swait.ge [sflag:s28], $0x2000  }
0x9d: {  	[sflag:s28] =	ssyncset.done $0x0  }
0x9e: {  	[sflag:s28] =	ssyncadd.s32 $0xFFFFE000  }
0x9f: {  	_ =	swait.ge [sflag:s28], $0x2000  }
0xa0: {  	[sflag:s28] =	ssyncset.done $0x0  }
0xa1: {  	[sflag:s28] =	ssyncadd.s32 $0xFFFFE000  }
0xa2: {  	_ =	swait.ge [sflag:s28], $0x2000  }
0xa3: {  	[sflag:s28] =	ssyncset.done $0x0  }
0xa4: {  	[sflag:s28] =	ssyncadd.s32 $0xFFFFE000  }
0xa5: {  	_ =	swait.ge [sflag:s28], $0x2000  }
0xa6: {  	[sflag:s28] =	ssyncset.done $0x0  }
0xa7: {  	[sflag:s28] =	ssyncadd.s32 $0xFFFFE000  }
0xa8: {  	_ =	swait.ge [sflag:s28], $0x2000  }
0xa9: {  	[sflag:s28] =	ssyncset.done $0x0  }
0xaa: {  	[sflag:s28] =	ssyncadd.s32 $0xFFFFE000  }
0xab: {  	_ =	swait.ge [sflag:s28], $0x2000  }
0xac: {  	[sflag:s28] =	ssyncset.done $0x0  }
0xad: {  	[sflag:s28] =	ssyncadd.s32 $0xFFFFE000  }
0xae: {  	_ =	swait.ge [sflag:s28], $0x2000  }
0xaf: {  	[sflag:s28] =	ssyncset.done $0x0  }
0xb0: {  	[sflag:s28] =	ssyncadd.s32 $0xFFFFE000  }
0xb1: {  	_ =	swait.ge [sflag:s28], $0x2000  }
0xb2: {  	[sflag:s28] =	ssyncset.done $0x0  }
0xb3: {  	[sflag:s28] =	ssyncadd.s32 $0xFFFFE000  }
0xb4: {  	_ =	swait.ge [sflag:s28], $0x2000  }
0xb5: {  	[sflag:s28] =	ssyncset.done $0x0  }
0xb6: {  	[sflag:s28] =	ssyncadd.s32 $0xFFFFE000  }
0xb7: {  	_ =	swait.ge [sflag:s28], $0x2000  }
0xb8: {  	[sflag:s28] =	ssyncset.done $0x0  }
0xb9: {  	[sflag:s28] =	ssyncadd.s32 $0xFFFFE000  }
0xba: {  	[hbm4b:s30+s2] =	stream.linear.scatter [tilespmem:s9], [sflag:$0x2], $0x14000, $0x38;
	[tilespmem:$0x14500] =	vst v63  }
0xbb: {  	_ =	swait.ge [sflag:s7], $0x14000  }
0xbc: {  	s29 =	sadd.s32 $0x1, s29;
	s31 =	rddreg [dreg:$0x3]  }
0xbd: {  	p0 =	sne.s32 s29, s31  }
.Ltmp1:
0xbe: {  	_ = 	snop;
	(pc) =	sbr.rel @p0 .LBB2_1-.Ltmp1, $3  }
0xbf: {  	_ =	sdelay $0x1  }
0xc0: {  	[sflag:s7] =	ssyncset.done $0x0  }
0xc1: {  	[sflag:s7] =	ssyncadd.s32 $0xFFFEC000  }
0xc2: {  	_ =	sfence.sel $0x180000  }
0xc3: {  	[bflag:$0x0] =	sbarrier.arrive $0xFFFF  }
0xc4: {  	_ =	strace $0x90000047  }
0xc5: {  	s0 =	stileid.u32;
	[bflag:$0x2] =	sbarrier.arrive $0xFFFF  }
0xc6: {  	p0 =	sne.s32 s0, $0x0;
	s0 =	rddreg [dreg:$0x2]  }
0xc7: {  	s0 =	sadd.s32 @!p0 $0x100000, s0  }
0xc8: {  	[sflag:s0] =	ssyncadd.tile.s32 @!p0 $0x1;
	_ =	shalt  }
.Lfunc_end2:
_tile_overlayer_lowered:
.L_overlay_start_2:
0xc9: {  	(tag) =	ssettag $0x2  }
0xca: {  	s0 =	rddreg [dreg:$0x0];
	s2 =	stileid.u32  }
0xcb: {  	s1 =	rddreg [dreg:$0x1];
	p0 =	sne.s32 s2, $0x0  }
0xcc: {  	s3 =	rddreg [dreg:$0x2];
	[bflag:$0x3] =	sbarrier.arrive $0xFFFF;
	s2 =	simm.s32 @!p0 $0x1C02  }
0xcd: {  	[timem:s3], [sflag:s2] =	dma.local @!p0 [hbm:s0], s1  }
0xce: {  	s0 =	simm.s32 @!p0 $0x2  }
0xcf: {  	_ =	swait.ge @!p0 [sflag:s0], s1  }
0xd0: {  	s1 =	ssub.s32 @!p0 $0x0, s1;
	[sflag:s0] =	ssyncset.done @!p0 $0x0  }
0xd1: {  	[sflag:s0] =	ssyncadd.s32 @!p0 s1  }
0xd2: {  	[bflag:$0x3] =	sbarrier.arrive $0xFFFF  }
0xd3: {  	_ =	shalt  }

</sc_bundles>
